<compile_context>
chip_gen: v7x
topology: tpu7x:2x2x1
jax: 0.10.2.dev20260603
libtpu: 0.0.44.dev20260713+nightly
codegen_flags: <defaults>
</compile_context>

<pallas_src>
import functools

import jax
import jax.numpy as jnp
from jax import lax
from jax.experimental import pallas as pl
from jax.experimental.pallas import tpu as pltpu
from jax.experimental.pallas import tpu_sc as plsc

_NC = 2
_NS = 16
_NW = _NC * _NS
_L = 16

_BATCH = 16384
_DIM = 64
_VOCAB_USED = 1000000
_STRIPE = 31232
_WIN = 512
_ROWS = 128
_SEG = 4096
_DUMP = _BATCH

_N_WIN_RUN = 62
_TAIL_ID = 62
_TAIL_START = 999936


def _splat(x, dtype=jnp.int32):
  return jnp.full((_L,), x, dtype)


_IOTA = lambda: lax.broadcasted_iota(jnp.int32, (_L,), 0)


@functools.lru_cache(maxsize=None)
def _build():
  mesh = plsc.VectorSubcoreMesh(core_axis_name="c", subcore_axis_name="s")

  @functools.partial(
      pl.kernel,
      mesh=mesh,
      out_type=jax.ShapeDtypeStruct((_BATCH + _ROWS, 128), jnp.float32),
      scratch_types=[
          pltpu.VMEM((_SEG,), jnp.int32),
          pltpu.VMEM((_BATCH + _L,), jnp.int32),
          pltpu.VMEM((_BATCH + _L,), jnp.int32),
          pltpu.VMEM((_DIM, _WIN), jnp.float32),
          pltpu.VMEM((_DIM, _WIN), jnp.float32),
          pltpu.VMEM((_ROWS, 128), jnp.float32),
          pltpu.VMEM((_ROWS,), jnp.int32),
          pltpu.SMEM((64,), jnp.int32),
          pltpu.SMEM((64,), jnp.int32),
          pltpu.SMEM((64,), jnp.int32),
          pltpu.SemaphoreType.DMA,
          pltpu.SemaphoreType.DMA,
          pltpu.SemaphoreType.DMA,
      ],
      compiler_params=pltpu.CompilerParams(
          use_tc_tiling_on_sc=True, needs_layout_passes=False),
  )
  def embed(tt_hbm, y_hbm, out_hbm, yv, hits, shits, cb0, cb1, rbuf,
            bidx, offs, cnt, wp, sem0, sem1, sem_s):
    wid = lax.axis_index("s") * _NC + lax.axis_index("c")
    lo = wid * _STRIPE
    hi = jnp.where(wid == _NW - 1, _VOCAB_USED, lo + _STRIPE)

    def fetch(w, buf, sem):
      col0 = pl.multiple_of(lo + w * _WIN, 128)
      return pltpu.async_copy(tt_hbm.at[:, pl.ds(col0, _WIN)], buf, sem)

    fetch(0, cb0, sem0)

    for k in range(_ROWS // _L):
      bidx[pl.ds(k * _L, _L)] = _splat(_DUMP)

    def zero_body(i, _):
      cnt[i] = 0
      return 0

    lax.fori_loop(0, 64, zero_body, 0)

    def seg_body(s, n):
      pltpu.sync_copy(y_hbm.at[pl.ds(s * _SEG, _SEG)], yv)

      def vec_body(i, n):
        v = yv[pl.ds(i * _L, _L)]
        m = (v >= _splat(lo)) & (v < _splat(hi))
        rel = v - _splat(lo)
        packed = lax.shift_left(rel, _splat(14)) | (
            _IOTA() + _splat(s * _SEG + i * _L))
        mi = jnp.where(m, _splat(1), _splat(0))
        pos = jnp.maximum(_splat(n) + plsc.cumsum(mi) - 1, _splat(0))
        plsc.store_scatter(hits, [pos], packed, mask=m)
        return n + jnp.sum(mi)

      return lax.fori_loop(0, _SEG // _L, vec_body, n)

    n_hits = lax.fori_loop(0, _BATCH // _SEG, seg_body, 0)

    def count_body(i, _):
      p = hits[pl.ds(i, _L)][0]
      c = lax.shift_right_logical(p, 23)
      cnt[c] = cnt[c] + 1
      return 0

    lax.fori_loop(0, n_hits, count_body, 0)

    def scan_body(i, acc):
      c = cnt[i]
      offs[i] = acc
      wp[i] = acc
      return acc + c

    lax.fori_loop(0, 63, scan_body, 0)
    offs[63] = n_hits
    cnt[63] = 0
    wp[63] = n_hits

    def place_body(i, _):
      p = hits[pl.ds(i, _L)][0]
      c = lax.shift_right_logical(p, 23)
      pos = wp[c]
      wp[c] = pos + 1
      plsc.store_scatter(shits, [_splat(pos)], _splat(p), mask=_IOTA() == 0)
      return 0

    lax.fori_loop(0, n_hits, place_body, 0)

    def process(w, col_base, buf, h):
      start = offs[w]
      num = cnt[w]

      def hit_body(i, h):
        p = shits[pl.ds(i, _L)][0]
        b = p & (_BATCH - 1)
        col = jnp.clip(
            lax.shift_right_logical(p, 14) - col_base, 0, _WIN - 1)
        for k in range(_DIM // _L):
          d16 = _IOTA() + _splat(k * _L)
          vals = plsc.load_gather(buf, [d16, _splat(col)])
          plsc.store_scatter(rbuf, [_splat(h), d16], vals)
        plsc.store_scatter(bidx, [_splat(h)], _splat(b), mask=_IOTA() == 0)
        h = h + 1

        @pl.when(h == _ROWS)
        def _flush():
          pltpu.async_copy(rbuf, out_hbm.at[bidx], sem_s).wait()
          for k in range(_ROWS // _L):
            bidx[pl.ds(k * _L, _L)] = _splat(_DUMP)

        return jnp.where(h == _ROWS, 0, h)

      return lax.fori_loop(start, start + num, hit_body, h)

    def ring_body(c, h):
      w0 = 2 * c
      cpa = fetch(w0 + 1, cb1, sem1)
      pltpu.make_async_copy(tt_hbm.at[:, pl.ds(0, _WIN)], cb0, sem0).wait()
      h = process(w0, w0 * _WIN, cb0, h)

      @pl.when(c < _N_WIN_RUN // 2 - 1)
      def _prefetch():
        fetch(w0 + 2, cb0, sem0)

      cpa.wait()
      return process(w0 + 1, (w0 + 1) * _WIN, cb1, h)

    h = lax.fori_loop(0, _N_WIN_RUN // 2, ring_body, 0)

    tcps = [
        pltpu.async_copy(
            tt_hbm.at[pl.ds(8 * g, 8), pl.ds(_TAIL_START, 64)],
            cb0.at[pl.ds(8 * g, 8), pl.ds(0, 64)], sem0)
        for g in range(_DIM // 8)
    ]
    for tcp in tcps:
      tcp.wait()
    h = process(_TAIL_ID, _TAIL_START - lo, cb0, h)

    @pl.when(h > 0)
    def _final():
      pltpu.async_copy(rbuf, out_hbm.at[bidx], sem_s).wait()

  return embed


def kernel(y, embed_weight):
  idx = y.astype(jnp.int32)
  out = _build()(embed_weight.T, idx)
  return out[:_BATCH, :_DIM]

# --- scband reference (transcript-rebuilt; emitter-appended) ---
"""Pipeline reference for scband-class-embedder-45921790329598 (READ-ONLY COPY).

The authoritative reference and input builder live on the scoring server;
editing this copy changes nothing except your own understanding.
"""

import jax, jax.numpy as jnp
import numpy as np

NUM_CLASSES = 1000000
HIDDEN_DIM = 64
BATCH = 16384

def setup_inputs(seed: int = 0) -> dict:
    key = jax.random.key(seed)
    k1, k2 = jax.random.split(key)
    y = jax.random.randint(k1, (BATCH,), 0, NUM_CLASSES, dtype=jnp.int64 if jax.config.jax_enable_x64 else jnp.int32)
    # embedding table has num_classes + 1 rows (extra row for the null/dropped class)
    embed_weight = jax.random.normal(k2, (NUM_CLASSES + 1, HIDDEN_DIM), dtype=jnp.float32)
    return {"y": y, "embed_weight": embed_weight}

def reference(y, embed_weight):
    # forward with training=False: plain embedding lookup (no classifier-free dropout)
    return jnp.take(embed_weight, y, axis=0)

if __name__ == "__main__":
    import jax
    _d = setup_inputs()
    print(jax.jit(kernel)(*tuple(_d.values())))

</pallas_src>

<mosaic_0001>
#map = affine_map<(d0, d1) -> (0, 0)>
#map1 = affine_map<(d0, d1) -> (0)>
module attributes {stable_mosaic.version = 14 : i64} {
  func.func @embed(%arg0: i32, %arg1: i32, %arg2: memref<64x1000001xf32, #tpu.memory_space<hbm>>, %arg3: memref<16384xi32, #tpu.memory_space<hbm>>, %arg4: memref<16512x128xf32, #tpu.memory_space<hbm>>, %arg5: memref<4096xi32, #tpu.memory_space<vmem>>, %arg6: memref<16400xi32, #tpu.memory_space<vmem>>, %arg7: memref<16400xi32, #tpu.memory_space<vmem>>, %arg8: memref<64x512xf32, #tpu.memory_space<vmem>>, %arg9: memref<64x512xf32, #tpu.memory_space<vmem>>, %arg10: memref<128x128xf32, #tpu.memory_space<vmem>>, %arg11: memref<128xi32, #tpu.memory_space<vmem>>, %arg12: memref<64xi32, #tpu.memory_space<smem>>, %arg13: memref<64xi32, #tpu.memory_space<smem>>, %arg14: memref<64xi32, #tpu.memory_space<smem>>, %arg15: memref<!tpu.dma_semaphore, #tpu.memory_space<semaphore_mem>>, %arg16: memref<!tpu.dma_semaphore, #tpu.memory_space<semaphore_mem>>, %arg17: memref<!tpu.dma_semaphore, #tpu.memory_space<semaphore_mem>>) attributes {dimension_semantics = [#tpu.dimension_semantics<core_parallel>, #tpu.dimension_semantics<subcore_parallel>], iteration_bounds = array<i64: 2, 16>, scalar_prefetch = 0 : i64, scratch_operands = 13 : i64, tpu.core_type = #tpu.core_type<sc_vector_subcore>, window_params = [{transform_indices = #map}, {transform_indices = #map1}, {transform_indices = #map}]} {
    %mul3A = arith.constant 2 : i32
    %mul3A_0 = arith.muli %arg1, %mul3A : i32
    %add3A = arith.addi %mul3A_0, %arg0 : i32
    %mul3A_1 = arith.constant 31232 : i32
    %mul3A_2 = arith.muli %add3A, %mul3A_1 : i32
    %eq3A = arith.constant 31 : i32
    %eq3A_3 = arith.cmpi eq, %add3A, %eq3A : i32
    %add3A_4 = arith.constant 31232 : i32
    %add3A_5 = arith.addi %mul3A_2, %add3A_4 : i32
    %jit3A = arith.constant 1000000 : i32
    %select_n3A = arith.select %eq3A_3, %jit3A, %add3A_5 : i32
    %add3A_6 = arith.constant 0 : i32
    %add3A_7 = arith.addi %mul3A_2, %add3A_6 : i32
    %multiple_of3A = tpu.assume_multiple %add3A_7, 128 : i32
    %dma_start3A = arith.constant 0 : i32
    %dma_start3A_8 = tpu.memref_slice %arg2[%dma_start3A, %multiple_of3A] : memref<64x1000001xf32, #tpu.memory_space<hbm>> -> memref<64x512xf32, #tpu.memory_space<hbm>>
    %dma_start3A_9 = arith.constant 0 : i32
    %dma_start3A_10 = tpu.memref_slice %arg2[%dma_start3A_9, %multiple_of3A] : memref<64x1000001xf32, #tpu.memory_space<hbm>> -> memref<64x512xf32, #tpu.memory_space<hbm>>
    tpu.enqueue_dma source(%dma_start3A_10 : memref<64x512xf32, #tpu.memory_space<hbm>>) target(%arg8 : memref<64x512xf32, #tpu.memory_space<vmem>>) target_semaphore(%arg15 : memref<!tpu.dma_semaphore, #tpu.memory_space<semaphore_mem>>)
    %broadcast_in_dim3A = arith.constant 16384 : i32
    %broadcast_in_dim3A_11 = vector.broadcast %broadcast_in_dim3A : i32 to vector<16xi32>
    %swap3A = arith.constant 0 : index
    %swap3A_12 = tpu.vector_load %arg11[%swap3A] {strides = array<i32>} : memref<128xi32, #tpu.memory_space<vmem>>, vector<16xi32>,
    tpu.vector_store %arg11[%swap3A], %broadcast_in_dim3A_11 {strides = array<i32>} : memref<128xi32, #tpu.memory_space<vmem>>, vector<16xi32>,
    %broadcast_in_dim3A_13 = arith.constant 16384 : i32
    %broadcast_in_dim3A_14 = vector.broadcast %broadcast_in_dim3A_13 : i32 to vector<16xi32>
    %swap3A_15 = arith.constant 16 : index
    %swap3A_16 = tpu.vector_load %arg11[%swap3A_15] {strides = array<i32>} : memref<128xi32, #tpu.memory_space<vmem>>, vector<16xi32>,
    tpu.vector_store %arg11[%swap3A_15], %broadcast_in_dim3A_14 {strides = array<i32>} : memref<128xi32, #tpu.memory_space<vmem>>, vector<16xi32>,
    %broadcast_in_dim3A_17 = arith.constant 16384 : i32
    %broadcast_in_dim3A_18 = vector.broadcast %broadcast_in_dim3A_17 : i32 to vector<16xi32>
    %swap3A_19 = arith.constant 32 : index
    %swap3A_20 = tpu.vector_load %arg11[%swap3A_19] {strides = array<i32>} : memref<128xi32, #tpu.memory_space<vmem>>, vector<16xi32>,
    tpu.vector_store %arg11[%swap3A_19], %broadcast_in_dim3A_18 {strides = array<i32>} : memref<128xi32, #tpu.memory_space<vmem>>, vector<16xi32>,
    %broadcast_in_dim3A_21 = arith.constant 16384 : i32
    %broadcast_in_dim3A_22 = vector.broadcast %broadcast_in_dim3A_21 : i32 to vector<16xi32>
    %swap3A_23 = arith.constant 48 : index
    %swap3A_24 = tpu.vector_load %arg11[%swap3A_23] {strides = array<i32>} : memref<128xi32, #tpu.memory_space<vmem>>, vector<16xi32>,
    tpu.vector_store %arg11[%swap3A_23], %broadcast_in_dim3A_22 {strides = array<i32>} : memref<128xi32, #tpu.memory_space<vmem>>, vector<16xi32>,
    %broadcast_in_dim3A_25 = arith.constant 16384 : i32
    %broadcast_in_dim3A_26 = vector.broadcast %broadcast_in_dim3A_25 : i32 to vector<16xi32>
    %swap3A_27 = arith.constant 64 : index
    %swap3A_28 = tpu.vector_load %arg11[%swap3A_27] {strides = array<i32>} : memref<128xi32, #tpu.memory_space<vmem>>, vector<16xi32>,
    tpu.vector_store %arg11[%swap3A_27], %broadcast_in_dim3A_26 {strides = array<i32>} : memref<128xi32, #tpu.memory_space<vmem>>, vector<16xi32>,
    %broadcast_in_dim3A_29 = arith.constant 16384 : i32
    %broadcast_in_dim3A_30 = vector.broadcast %broadcast_in_dim3A_29 : i32 to vector<16xi32>
    %swap3A_31 = arith.constant 80 : index
    %swap3A_32 = tpu.vector_load %arg11[%swap3A_31] {strides = array<i32>} : memref<128xi32, #tpu.memory_space<vmem>>, vector<16xi32>,
    tpu.vector_store %arg11[%swap3A_31], %broadcast_in_dim3A_30 {strides = array<i32>} : memref<128xi32, #tpu.memory_space<vmem>>, vector<16xi32>,
    %broadcast_in_dim3A_33 = arith.constant 16384 : i32
    %broadcast_in_dim3A_34 = vector.broadcast %broadcast_in_dim3A_33 : i32 to vector<16xi32>
    %swap3A_35 = arith.constant 96 : index
    %swap3A_36 = tpu.vector_load %arg11[%swap3A_35] {strides = array<i32>} : memref<128xi32, #tpu.memory_space<vmem>>, vector<16xi32>,
    tpu.vector_store %arg11[%swap3A_35], %broadcast_in_dim3A_34 {strides = array<i32>} : memref<128xi32, #tpu.memory_space<vmem>>, vector<16xi32>,
    %broadcast_in_dim3A_37 = arith.constant 16384 : i32
    %broadcast_in_dim3A_38 = vector.broadcast %broadcast_in_dim3A_37 : i32 to vector<16xi32>
    %swap3A_39 = arith.constant 112 : index
    %swap3A_40 = tpu.vector_load %arg11[%swap3A_39] {strides = array<i32>} : memref<128xi32, #tpu.memory_space<vmem>>, vector<16xi32>,
    tpu.vector_store %arg11[%swap3A_39], %broadcast_in_dim3A_38 {strides = array<i32>} : memref<128xi32, #tpu.memory_space<vmem>>, vector<16xi32>,
    %scan3A = arith.constant 0 : i32
    %scan3A_41 = arith.constant 0 : i32
    %scan3A_42 = arith.constant 64 : i32
    %scan3A_43 = arith.addi %scan3A_41, %scan3A_42 : i32
    %scan3A_44 = arith.constant 1 : i32
    %scan3A_45 = scf.for %scan3A_311 = %scan3A_41 to %scan3A_43 step %scan3A_44 iter_args(%scan3A_312 = %scan3A) -> (i32)  : i32 {
      %swap3A_313 = arith.constant 0 : i32
      %swap3A_314 = arith.index_cast %scan3A_311 : i32 to index
      %swap3A_315 = memref.load %arg13[%swap3A_314] : memref<64xi32, #tpu.memory_space<smem>>
      memref.store %swap3A_313, %arg13[%swap3A_314] : memref<64xi32, #tpu.memory_space<smem>>
      %scan3A_316 = arith.constant 0 : i32
      scf.yield %scan3A_316 : i32
    }
    %scan3A_46 = arith.constant 64 : i32
    %scan3A_47 = arith.constant 0 : i32
    %scan3A_48 = arith.constant 0 : i32
    %scan3A_49 = arith.constant 4 : i32
    %scan3A_50 = arith.addi %scan3A_48, %scan3A_49 : i32
    %scan3A_51 = arith.constant 1 : i32
    %scan3A_52 = scf.for %scan3A_311 = %scan3A_48 to %scan3A_50 step %scan3A_51 iter_args(%scan3A_312 = %scan3A_47) -> (i32)  : i32 {
      %mul3A_313 = arith.constant 4096 : i32
      %mul3A_314 = arith.muli %scan3A_311, %mul3A_313 : i32
      "tpu.region"() ({
        %run_scoped3A = tpu.sem_alloc : memref<!tpu.dma_semaphore, #tpu.memory_space<semaphore_mem>>
        %dma_start3A_321 = tpu.memref_slice %arg3[%mul3A_314] : memref<16384xi32, #tpu.memory_space<hbm>> -> memref<4096xi32, #tpu.memory_space<hbm>>
        %dma_start3A_322 = tpu.memref_slice %arg3[%mul3A_314] : memref<16384xi32, #tpu.memory_space<hbm>> -> memref<4096xi32, #tpu.memory_space<hbm>>
        tpu.enqueue_dma source(%dma_start3A_322 : memref<4096xi32, #tpu.memory_space<hbm>>) target(%arg5 : memref<4096xi32, #tpu.memory_space<vmem>>) target_semaphore(%run_scoped3A : memref<!tpu.dma_semaphore, #tpu.memory_space<semaphore_mem>>)
        %dma_wait3A_323 = tpu.memref_slice %arg3[%mul3A_314] : memref<16384xi32, #tpu.memory_space<hbm>> -> memref<4096xi32, #tpu.memory_space<hbm>>
        %dma_wait3A_324 = tpu.memref_slice %arg3[%mul3A_314] : memref<16384xi32, #tpu.memory_space<hbm>> -> memref<4096xi32, #tpu.memory_space<hbm>>
        tpu.wait_dma2 semaphore(%run_scoped3A : memref<!tpu.dma_semaphore, #tpu.memory_space<semaphore_mem>>) src(%dma_wait3A_324 : memref<4096xi32, #tpu.memory_space<hbm>>) dst(%arg5 : memref<4096xi32, #tpu.memory_space<vmem>>)
        tpu.yield
      }) : () -> ()
      %scan3A_315 = arith.constant 0 : i32
      %scan3A_316 = arith.constant 256 : i32
      %scan3A_317 = arith.addi %scan3A_315, %scan3A_316 : i32
      %scan3A_318 = arith.constant 1 : i32
      %scan3A_319 = scf.for %scan3A_321 = %scan3A_315 to %scan3A_317 step %scan3A_318 iter_args(%scan3A_322 = %scan3A_312) -> (i32)  : i32 {
        %mul3A_323 = arith.constant 16 : i32
        %mul3A_324 = arith.muli %scan3A_321, %mul3A_323 : i32
        %get3A_325 = arith.index_cast %mul3A_324 : i32 to index
        %get3A_326 = tpu.vector_load %arg5[%get3A_325] {strides = array<i32>} : memref<4096xi32, #tpu.memory_space<vmem>>, vector<16xi32>,
        %broadcast_in_dim3A_327 = vector.broadcast %mul3A_2 : i32 to vector<16xi32>
        %ge3A = arith.cmpi sge, %get3A_326, %broadcast_in_dim3A_327 : vector<16xi32>
        %broadcast_in_dim3A_328 = vector.broadcast %select_n3A : i32 to vector<16xi32>
        %lt3A = arith.cmpi slt, %get3A_326, %broadcast_in_dim3A_328 : vector<16xi32>
        %and3A = arith.andi %ge3A, %lt3A : vector<16xi1>
        %broadcast_in_dim3A_329 = vector.broadcast %mul3A_2 : i32 to vector<16xi32>
        %sub3A_330 = arith.subi %get3A_326, %broadcast_in_dim3A_329 : vector<16xi32>
        %broadcast_in_dim3A_331 = arith.constant 14 : i32
        %broadcast_in_dim3A_332 = vector.broadcast %broadcast_in_dim3A_331 : i32 to vector<16xi32>
        %shift_left3A = arith.shli %sub3A_330, %broadcast_in_dim3A_332 : vector<16xi32>
        %iota3A = tpu.iota {dimensions = array<i32: 0>} : vector<16xi32>
        %mul3A_333 = arith.constant 4096 : i32
        %mul3A_334 = arith.muli %scan3A_311, %mul3A_333 : i32
        %mul3A_335 = arith.constant 16 : i32
        %mul3A_336 = arith.muli %scan3A_321, %mul3A_335 : i32
        %add3A_337 = arith.addi %mul3A_334, %mul3A_336 : i32
        %broadcast_in_dim3A_338 = vector.broadcast %add3A_337 : i32 to vector<16xi32>
        %add3A_339 = arith.addi %iota3A, %broadcast_in_dim3A_338 : vector<16xi32>
        %or3A = arith.ori %shift_left3A, %add3A_339 : vector<16xi32>
        %broadcast_in_dim3A_340 = arith.constant 1 : i32
        %broadcast_in_dim3A_341 = vector.broadcast %broadcast_in_dim3A_340 : i32 to vector<16xi32>
        %broadcast_in_dim3A_342 = arith.constant 0 : i32
        %broadcast_in_dim3A_343 = vector.broadcast %broadcast_in_dim3A_342 : i32 to vector<16xi32>
        %select_n3A_344 = arith.select %and3A, %broadcast_in_dim3A_341, %broadcast_in_dim3A_343 : vector<16xi1>, vector<16xi32>
        %broadcast_in_dim3A_345 = vector.broadcast %scan3A_322 : i32 to vector<16xi32>
        %broadcast_in_dim3A_346 = arith.constant true
        %broadcast_in_dim3A_347 = vector.broadcast %broadcast_in_dim3A_346 : i1 to vector<16xi1>
        %masked_cumsum3A = tpu.scan <sum>, %select_n3A_344 masked %broadcast_in_dim3A_347 : vector<16xi32>, vector<16xi1> -> vector<16xi32>
        %add3A_348 = arith.addi %broadcast_in_dim3A_345, %masked_cumsum3A : vector<16xi32>
        %sub3A_349 = arith.constant 1 : i32
        %sub3A_350 = vector.broadcast %sub3A_349 : i32 to vector<16xi32>
        %sub3A_351 = arith.subi %add3A_348, %sub3A_350 : vector<16xi32>
        %broadcast_in_dim3A_352 = arith.constant 0 : i32
        %broadcast_in_dim3A_353 = vector.broadcast %broadcast_in_dim3A_352 : i32 to vector<16xi32>
        %max3A = arith.maxsi %sub3A_351, %broadcast_in_dim3A_353 : vector<16xi32>
        tpu.vector_store_idx %arg6[%max3A], %or3A masked %and3A : memref<16400xi32, #tpu.memory_space<vmem>>[vector<16xi32>], vector<16xi32>, vector<16xi1>
        %reduce_sum3A = arith.constant true
        %reduce_sum3A_354 = vector.broadcast %reduce_sum3A : i1 to vector<16xi1>
        %reduce_sum3A_355 = tpu.scan <sum>, %select_n3A_344 masked %reduce_sum3A_354 : vector<16xi32>, vector<16xi1> -> vector<16xi32>
        %reduce_sum3A_356 = vector.extract %reduce_sum3A_355[15] : i32 from vector<16xi32>
        %add3A_357 = arith.addi %scan3A_322, %reduce_sum3A_356 : i32
        scf.yield %add3A_357 : i32
      }
      %scan3A_320 = arith.constant 256 : i32
      scf.yield %scan3A_319 : i32
    }
    %scan3A_53 = arith.constant 4 : i32
    %while3A = arith.constant 0 : i32
    %while3A_54 = arith.constant 0 : i32
    %while3A_55 = arith.subi %scan3A_52, %while3A : i32
    %while3A_56 = arith.addi %while3A, %while3A_55 : i32
    %while3A_57 = arith.constant 1 : i32
    %while3A_58 = arith.divsi %while3A_55, %while3A_57 : i32
    %while3A_59 = arith.muli %while3A_58, %while3A_57 : i32
    %while3A_60 = arith.addi %while3A, %while3A_59 : i32
    %while3A_61 = arith.constant 1 : i32
    %while3A_62 = scf.for %while3A_311 = %while3A to %while3A_60 step %while3A_61 iter_args(%while3A_312 = %while3A_54) -> (i32)  : i32 {
      %get3A_313 = arith.index_cast %while3A_311 : i32 to index
      %get3A_314 = tpu.vector_load %arg6[%get3A_313] {strides = array<i32>} : memref<16400xi32, #tpu.memory_space<vmem>>, vector<16xi32>,
      %slice3A = vector.extract_strided_slice %get3A_314 {offsets = [0], sizes = [1], strides = [1]} : vector<16xi32> to vector<1xi32>
      %squeeze3A = vector.extract %slice3A[0] : i32 from vector<1xi32>
      %shift_right_logical3A = arith.constant 23 : i32
      %shift_right_logical3A_315 = arith.shrui %squeeze3A, %shift_right_logical3A : i32
      %get3A_316 = arith.index_cast %shift_right_logical3A_315 : i32 to index
      %get3A_317 = memref.load %arg13[%get3A_316] : memref<64xi32, #tpu.memory_space<smem>>
      %add3A_318 = arith.constant 1 : i32
      %add3A_319 = arith.addi %get3A_317, %add3A_318 : i32
      %swap3A_320 = arith.index_cast %shift_right_logical3A_315 : i32 to index
      %swap3A_321 = memref.load %arg13[%swap3A_320] : memref<64xi32, #tpu.memory_space<smem>>
      memref.store %add3A_319, %arg13[%swap3A_320] : memref<64xi32, #tpu.memory_space<smem>>
      %while3A_322 = arith.constant 0 : i32
      scf.yield %while3A_322 : i32
    }
    %while3A_63 = arith.constant 1 : i32
    %while3A_64 = scf.for %while3A_311 = %while3A_60 to %while3A_56 step %while3A_63 iter_args(%while3A_312 = %while3A_62) -> (i32)  : i32 {
      %get3A_313 = arith.index_cast %while3A_311 : i32 to index
      %get3A_314 = tpu.vector_load %arg6[%get3A_313] {strides = array<i32>} : memref<16400xi32, #tpu.memory_space<vmem>>, vector<16xi32>,
      %slice3A = vector.extract_strided_slice %get3A_314 {offsets = [0], sizes = [1], strides = [1]} : vector<16xi32> to vector<1xi32>
      %squeeze3A = vector.extract %slice3A[0] : i32 from vector<1xi32>
      %shift_right_logical3A = arith.constant 23 : i32
      %shift_right_logical3A_315 = arith.shrui %squeeze3A, %shift_right_logical3A : i32
      %get3A_316 = arith.index_cast %shift_right_logical3A_315 : i32 to index
      %get3A_317 = memref.load %arg13[%get3A_316] : memref<64xi32, #tpu.memory_space<smem>>
      %add3A_318 = arith.constant 1 : i32
      %add3A_319 = arith.addi %get3A_317, %add3A_318 : i32
      %swap3A_320 = arith.index_cast %shift_right_logical3A_315 : i32 to index
      %swap3A_321 = memref.load %arg13[%swap3A_320] : memref<64xi32, #tpu.memory_space<smem>>
      memref.store %add3A_319, %arg13[%swap3A_320] : memref<64xi32, #tpu.memory_space<smem>>
      %while3A_322 = arith.constant 0 : i32
      scf.yield %while3A_322 : i32
    }
    %scan3A_65 = arith.constant 0 : i32
    %scan3A_66 = arith.constant 0 : i32
    %scan3A_67 = arith.constant 63 : i32
    %scan3A_68 = arith.addi %scan3A_66, %scan3A_67 : i32
    %scan3A_69 = arith.constant 1 : i32
    %scan3A_70 = scf.for %scan3A_311 = %scan3A_66 to %scan3A_68 step %scan3A_69 iter_args(%scan3A_312 = %scan3A_65) -> (i32)  : i32 {
      %get3A_313 = arith.index_cast %scan3A_311 : i32 to index
      %get3A_314 = memref.load %arg13[%get3A_313] : memref<64xi32, #tpu.memory_space<smem>>
      %swap3A_315 = arith.index_cast %scan3A_311 : i32 to index
      %swap3A_316 = memref.load %arg12[%swap3A_315] : memref<64xi32, #tpu.memory_space<smem>>
      memref.store %scan3A_312, %arg12[%swap3A_315] : memref<64xi32, #tpu.memory_space<smem>>
      %swap3A_317 = arith.index_cast %scan3A_311 : i32 to index
      %swap3A_318 = memref.load %arg14[%swap3A_317] : memref<64xi32, #tpu.memory_space<smem>>
      memref.store %scan3A_312, %arg14[%swap3A_317] : memref<64xi32, #tpu.memory_space<smem>>
      %add3A_319 = arith.addi %scan3A_312, %get3A_314 : i32
      scf.yield %add3A_319 : i32
    }
    %scan3A_71 = arith.constant 63 : i32
    %swap3A_72 = arith.constant 63 : i32
    %swap3A_73 = arith.index_cast %swap3A_72 : i32 to index
    %swap3A_74 = memref.load %arg12[%swap3A_73] : memref<64xi32, #tpu.memory_space<smem>>
    memref.store %scan3A_52, %arg12[%swap3A_73] : memref<64xi32, #tpu.memory_space<smem>>
    %swap3A_75 = arith.constant 0 : i32
    %swap3A_76 = arith.constant 63 : i32
    %swap3A_77 = arith.index_cast %swap3A_76 : i32 to index
    %swap3A_78 = memref.load %arg13[%swap3A_77] : memref<64xi32, #tpu.memory_space<smem>>
    memref.store %swap3A_75, %arg13[%swap3A_77] : memref<64xi32, #tpu.memory_space<smem>>
    %swap3A_79 = arith.constant 63 : i32
    %swap3A_80 = arith.index_cast %swap3A_79 : i32 to index
    %swap3A_81 = memref.load %arg14[%swap3A_80] : memref<64xi32, #tpu.memory_space<smem>>
    memref.store %scan3A_52, %arg14[%swap3A_80] : memref<64xi32, #tpu.memory_space<smem>>
    %while3A_82 = arith.constant 0 : i32
    %while3A_83 = arith.constant 0 : i32
    %while3A_84 = arith.subi %scan3A_52, %while3A_82 : i32
    %while3A_85 = arith.addi %while3A_82, %while3A_84 : i32
    %while3A_86 = arith.constant 1 : i32
    %while3A_87 = arith.divsi %while3A_84, %while3A_86 : i32
    %while3A_88 = arith.muli %while3A_87, %while3A_86 : i32
    %while3A_89 = arith.addi %while3A_82, %while3A_88 : i32
    %while3A_90 = arith.constant 1 : i32
    %while3A_91 = scf.for %while3A_311 = %while3A_82 to %while3A_89 step %while3A_90 iter_args(%while3A_312 = %while3A_83) -> (i32)  : i32 {
      %get3A_313 = arith.index_cast %while3A_311 : i32 to index
      %get3A_314 = tpu.vector_load %arg6[%get3A_313] {strides = array<i32>} : memref<16400xi32, #tpu.memory_space<vmem>>, vector<16xi32>,
      %slice3A = vector.extract_strided_slice %get3A_314 {offsets = [0], sizes = [1], strides = [1]} : vector<16xi32> to vector<1xi32>
      %squeeze3A = vector.extract %slice3A[0] : i32 from vector<1xi32>
      %shift_right_logical3A = arith.constant 23 : i32
      %shift_right_logical3A_315 = arith.shrui %squeeze3A, %shift_right_logical3A : i32
      %get3A_316 = arith.index_cast %shift_right_logical3A_315 : i32 to index
      %get3A_317 = memref.load %arg14[%get3A_316] : memref<64xi32, #tpu.memory_space<smem>>
      %add3A_318 = arith.constant 1 : i32
      %add3A_319 = arith.addi %get3A_317, %add3A_318 : i32
      %swap3A_320 = arith.index_cast %shift_right_logical3A_315 : i32 to index
      %swap3A_321 = memref.load %arg14[%swap3A_320] : memref<64xi32, #tpu.memory_space<smem>>
      memref.store %add3A_319, %arg14[%swap3A_320] : memref<64xi32, #tpu.memory_space<smem>>
      %broadcast_in_dim3A_322 = vector.broadcast %get3A_317 : i32 to vector<16xi32>
      %broadcast_in_dim3A_323 = vector.broadcast %squeeze3A : i32 to vector<16xi32>
      %iota3A = tpu.iota {dimensions = array<i32: 0>} : vector<16xi32>
      %eq3A_324 = arith.constant 0 : i32
      %eq3A_325 = vector.broadcast %eq3A_324 : i32 to vector<16xi32>
      %eq3A_326 = arith.cmpi eq, %iota3A, %eq3A_325 : vector<16xi32>
      tpu.vector_store_idx %arg7[%broadcast_in_dim3A_322], %broadcast_in_dim3A_323 masked %eq3A_326 : memref<16400xi32, #tpu.memory_space<vmem>>[vector<16xi32>], vector<16xi32>, vector<16xi1>
      %while3A_327 = arith.constant 0 : i32
      scf.yield %while3A_327 : i32
    }
    %while3A_92 = arith.constant 1 : i32
    %while3A_93 = scf.for %while3A_311 = %while3A_89 to %while3A_85 step %while3A_92 iter_args(%while3A_312 = %while3A_91) -> (i32)  : i32 {
      %get3A_313 = arith.index_cast %while3A_311 : i32 to index
      %get3A_314 = tpu.vector_load %arg6[%get3A_313] {strides = array<i32>} : memref<16400xi32, #tpu.memory_space<vmem>>, vector<16xi32>,
      %slice3A = vector.extract_strided_slice %get3A_314 {offsets = [0], sizes = [1], strides = [1]} : vector<16xi32> to vector<1xi32>
      %squeeze3A = vector.extract %slice3A[0] : i32 from vector<1xi32>
      %shift_right_logical3A = arith.constant 23 : i32
      %shift_right_logical3A_315 = arith.shrui %squeeze3A, %shift_right_logical3A : i32
      %get3A_316 = arith.index_cast %shift_right_logical3A_315 : i32 to index
      %get3A_317 = memref.load %arg14[%get3A_316] : memref<64xi32, #tpu.memory_space<smem>>
      %add3A_318 = arith.constant 1 : i32
      %add3A_319 = arith.addi %get3A_317, %add3A_318 : i32
      %swap3A_320 = arith.index_cast %shift_right_logical3A_315 : i32 to index
      %swap3A_321 = memref.load %arg14[%swap3A_320] : memref<64xi32, #tpu.memory_space<smem>>
      memref.store %add3A_319, %arg14[%swap3A_320] : memref<64xi32, #tpu.memory_space<smem>>
      %broadcast_in_dim3A_322 = vector.broadcast %get3A_317 : i32 to vector<16xi32>
      %broadcast_in_dim3A_323 = vector.broadcast %squeeze3A : i32 to vector<16xi32>
      %iota3A = tpu.iota {dimensions = array<i32: 0>} : vector<16xi32>
      %eq3A_324 = arith.constant 0 : i32
      %eq3A_325 = vector.broadcast %eq3A_324 : i32 to vector<16xi32>
      %eq3A_326 = arith.cmpi eq, %iota3A, %eq3A_325 : vector<16xi32>
      tpu.vector_store_idx %arg7[%broadcast_in_dim3A_322], %broadcast_in_dim3A_323 masked %eq3A_326 : memref<16400xi32, #tpu.memory_space<vmem>>[vector<16xi32>], vector<16xi32>, vector<16xi1>
      %while3A_327 = arith.constant 0 : i32
      scf.yield %while3A_327 : i32
    }
    %scan3A_94 = arith.constant 0 : i32
    %scan3A_95 = arith.constant 0 : i32
    %scan3A_96 = arith.constant 31 : i32
    %scan3A_97 = arith.addi %scan3A_95, %scan3A_96 : i32
    %scan3A_98 = arith.constant 1 : i32
    %scan3A_99 = scf.for %scan3A_311 = %scan3A_95 to %scan3A_97 step %scan3A_98 iter_args(%scan3A_312 = %scan3A_94) -> (i32)  : i32 {
      %mul3A_313 = arith.constant 2 : i32
      %mul3A_314 = arith.muli %mul3A_313, %scan3A_311 : i32
      %add3A_315 = arith.constant 1 : i32
      %add3A_316 = arith.addi %mul3A_314, %add3A_315 : i32
      %mul3A_317 = arith.constant 512 : i32
      %mul3A_318 = arith.muli %add3A_316, %mul3A_317 : i32
      %add3A_319 = arith.addi %mul3A_2, %mul3A_318 : i32
      %multiple_of3A_320 = tpu.assume_multiple %add3A_319, 128 : i32
      %dma_start3A_321 = arith.constant 0 : i32
      %dma_start3A_322 = tpu.memref_slice %arg2[%dma_start3A_321, %multiple_of3A_320] : memref<64x1000001xf32, #tpu.memory_space<hbm>> -> memref<64x512xf32, #tpu.memory_space<hbm>>
      %dma_start3A_323 = arith.constant 0 : i32
      %dma_start3A_324 = tpu.memref_slice %arg2[%dma_start3A_323, %multiple_of3A_320] : memref<64x1000001xf32, #tpu.memory_space<hbm>> -> memref<64x512xf32, #tpu.memory_space<hbm>>
      tpu.enqueue_dma source(%dma_start3A_324 : memref<64x512xf32, #tpu.memory_space<hbm>>) target(%arg9 : memref<64x512xf32, #tpu.memory_space<vmem>>) target_semaphore(%arg16 : memref<!tpu.dma_semaphore, #tpu.memory_space<semaphore_mem>>)
      %dma_wait3A_325 = arith.constant 0 : i32
      %dma_wait3A_326 = arith.constant 0 : i32
      %dma_wait3A_327 = tpu.memref_slice %arg2[%dma_wait3A_325, %dma_wait3A_326] : memref<64x1000001xf32, #tpu.memory_space<hbm>> -> memref<64x512xf32, #tpu.memory_space<hbm>>
      %dma_wait3A_328 = arith.constant 0 : i32
      %dma_wait3A_329 = arith.constant 0 : i32
      %dma_wait3A_330 = tpu.memref_slice %arg2[%dma_wait3A_328, %dma_wait3A_329] : memref<64x1000001xf32, #tpu.memory_space<hbm>> -> memref<64x512xf32, #tpu.memory_space<hbm>>
      tpu.wait_dma2 semaphore(%arg15 : memref<!tpu.dma_semaphore, #tpu.memory_space<semaphore_mem>>) src(%dma_wait3A_330 : memref<64x512xf32, #tpu.memory_space<hbm>>) dst(%arg8 : memref<64x512xf32, #tpu.memory_space<vmem>>)
      %mul3A_331 = arith.constant 512 : i32
      %mul3A_332 = arith.muli %mul3A_314, %mul3A_331 : i32
      %get3A_333 = arith.index_cast %mul3A_314 : i32 to index
      %get3A_334 = memref.load %arg12[%get3A_333] : memref<64xi32, #tpu.memory_space<smem>>
      %get3A_335 = arith.index_cast %mul3A_314 : i32 to index
      %get3A_336 = memref.load %arg13[%get3A_335] : memref<64xi32, #tpu.memory_space<smem>>
      %add3A_337 = arith.addi %get3A_334, %get3A_336 : i32
      %while3A_338 = arith.subi %add3A_337, %get3A_334 : i32
      %while3A_339 = arith.addi %get3A_334, %while3A_338 : i32
      %while3A_340 = arith.constant 1 : i32
      %while3A_341 = arith.divsi %while3A_338, %while3A_340 : i32
      %while3A_342 = arith.muli %while3A_341, %while3A_340 : i32
      %while3A_343 = arith.addi %get3A_334, %while3A_342 : i32
      %while3A_344 = arith.constant 1 : i32
      %while3A_345 = scf.for %while3A_377 = %get3A_334 to %while3A_343 step %while3A_344 iter_args(%while3A_378 = %scan3A_312) -> (i32)  : i32 {
        %get3A_379 = arith.index_cast %while3A_377 : i32 to index
        %get3A_380 = tpu.vector_load %arg7[%get3A_379] {strides = array<i32>} : memref<16400xi32, #tpu.memory_space<vmem>>, vector<16xi32>,
        %slice3A = vector.extract_strided_slice %get3A_380 {offsets = [0], sizes = [1], strides = [1]} : vector<16xi32> to vector<1xi32>
        %squeeze3A = vector.extract %slice3A[0] : i32 from vector<1xi32>
        %and3A = arith.constant 16383 : i32
        %and3A_381 = arith.andi %squeeze3A, %and3A : i32
        %shift_right_logical3A = arith.constant 14 : i32
        %shift_right_logical3A_382 = arith.shrui %squeeze3A, %shift_right_logical3A : i32
        %sub3A_383 = arith.subi %shift_right_logical3A_382, %mul3A_332 : i32
        %jit3A_384 = arith.constant 0 : i32
        %jit3A_385 = arith.constant 511 : i32
        %max3A = arith.maxsi %jit3A_384, %sub3A_383 : i32
        %min3A = arith.minsi %jit3A_385, %max3A : i32
        %iota3A = tpu.iota {dimensions = array<i32: 0>} : vector<16xi32>
        %broadcast_in_dim3A_386 = arith.constant 0 : i32
        %broadcast_in_dim3A_387 = vector.broadcast %broadcast_in_dim3A_386 : i32 to vector<16xi32>
        %add3A_388 = arith.addi %iota3A, %broadcast_in_dim3A_387 : vector<16xi32>
        %broadcast_in_dim3A_389 = vector.broadcast %min3A : i32 to vector<16xi32>
        %gather3A = tpu.vector_load_idx %arg8[%add3A_388, %broadcast_in_dim3A_389] : memref<64x512xf32, #tpu.memory_space<vmem>>[vector<16xi32>, vector<16xi32>], vector<16xf32>,
        %broadcast_in_dim3A_390 = vector.broadcast %while3A_378 : i32 to vector<16xi32>
        tpu.vector_store_idx %arg10[%broadcast_in_dim3A_390, %add3A_388], %gather3A : memref<128x128xf32, #tpu.memory_space<vmem>>[vector<16xi32>, vector<16xi32>], vector<16xf32>,
        %iota3A_391 = tpu.iota {dimensions = array<i32: 0>} : vector<16xi32>
        %broadcast_in_dim3A_392 = arith.constant 16 : i32
        %broadcast_in_dim3A_393 = vector.broadcast %broadcast_in_dim3A_392 : i32 to vector<16xi32>
        %add3A_394 = arith.addi %iota3A_391, %broadcast_in_dim3A_393 : vector<16xi32>
        %broadcast_in_dim3A_395 = vector.broadcast %min3A : i32 to vector<16xi32>
        %gather3A_396 = tpu.vector_load_idx %arg8[%add3A_394, %broadcast_in_dim3A_395] : memref<64x512xf32, #tpu.memory_space<vmem>>[vector<16xi32>, vector<16xi32>], vector<16xf32>,
        %broadcast_in_dim3A_397 = vector.broadcast %while3A_378 : i32 to vector<16xi32>
        tpu.vector_store_idx %arg10[%broadcast_in_dim3A_397, %add3A_394], %gather3A_396 : memref<128x128xf32, #tpu.memory_space<vmem>>[vector<16xi32>, vector<16xi32>], vector<16xf32>,
        %iota3A_398 = tpu.iota {dimensions = array<i32: 0>} : vector<16xi32>
        %broadcast_in_dim3A_399 = arith.constant 32 : i32
        %broadcast_in_dim3A_400 = vector.broadcast %broadcast_in_dim3A_399 : i32 to vector<16xi32>
        %add3A_401 = arith.addi %iota3A_398, %broadcast_in_dim3A_400 : vector<16xi32>
        %broadcast_in_dim3A_402 = vector.broadcast %min3A : i32 to vector<16xi32>
        %gather3A_403 = tpu.vector_load_idx %arg8[%add3A_401, %broadcast_in_dim3A_402] : memref<64x512xf32, #tpu.memory_space<vmem>>[vector<16xi32>, vector<16xi32>], vector<16xf32>,
        %broadcast_in_dim3A_404 = vector.broadcast %while3A_378 : i32 to vector<16xi32>
        tpu.vector_store_idx %arg10[%broadcast_in_dim3A_404, %add3A_401], %gather3A_403 : memref<128x128xf32, #tpu.memory_space<vmem>>[vector<16xi32>, vector<16xi32>], vector<16xf32>,
        %iota3A_405 = tpu.iota {dimensions = array<i32: 0>} : vector<16xi32>
        %broadcast_in_dim3A_406 = arith.constant 48 : i32
        %broadcast_in_dim3A_407 = vector.broadcast %broadcast_in_dim3A_406 : i32 to vector<16xi32>
        %add3A_408 = arith.addi %iota3A_405, %broadcast_in_dim3A_407 : vector<16xi32>
        %broadcast_in_dim3A_409 = vector.broadcast %min3A : i32 to vector<16xi32>
        %gather3A_410 = tpu.vector_load_idx %arg8[%add3A_408, %broadcast_in_dim3A_409] : memref<64x512xf32, #tpu.memory_space<vmem>>[vector<16xi32>, vector<16xi32>], vector<16xf32>,
        %broadcast_in_dim3A_411 = vector.broadcast %while3A_378 : i32 to vector<16xi32>
        tpu.vector_store_idx %arg10[%broadcast_in_dim3A_411, %add3A_408], %gather3A_410 : memref<128x128xf32, #tpu.memory_space<vmem>>[vector<16xi32>, vector<16xi32>], vector<16xf32>,
        %broadcast_in_dim3A_412 = vector.broadcast %while3A_378 : i32 to vector<16xi32>
        %broadcast_in_dim3A_413 = vector.broadcast %and3A_381 : i32 to vector<16xi32>
        %iota3A_414 = tpu.iota {dimensions = array<i32: 0>} : vector<16xi32>
        %eq3A_415 = arith.constant 0 : i32
        %eq3A_416 = vector.broadcast %eq3A_415 : i32 to vector<16xi32>
        %eq3A_417 = arith.cmpi eq, %iota3A_414, %eq3A_416 : vector<16xi32>
        tpu.vector_store_idx %arg11[%broadcast_in_dim3A_412], %broadcast_in_dim3A_413 masked %eq3A_417 : memref<128xi32, #tpu.memory_space<vmem>>[vector<16xi32>], vector<16xi32>, vector<16xi1>
        %add3A_418 = arith.constant 1 : i32
        %add3A_419 = arith.addi %while3A_378, %add3A_418 : i32
        %eq3A_420 = arith.constant 128 : i32
        %eq3A_421 = arith.cmpi eq, %add3A_419, %eq3A_420 : i32
        %convert_element_type3A_422 = arith.extui %eq3A_421 : i1 to i32
        %cond3A_423 = arith.constant 0 : i32
        %cond3A_424 = arith.cmpi ne, %convert_element_type3A_422, %cond3A_423 : i32
        scf.if %cond3A_424 {
          %dma_start3A_429 = arith.constant 0 : i32
          %dma_start3A_430 = arith.constant 0 : i32
          %dma_start3A_431 = tpu.memref_slice %arg4[%dma_start3A_429, %dma_start3A_430] : memref<16512x128xf32, #tpu.memory_space<hbm>> -> memref<16512x128xf32, #tpu.memory_space<hbm>>
          tpu.enqueue_indirect_dma source(%arg10 : memref<128x128xf32, #tpu.memory_space<vmem>>) target(%dma_start3A_431 : memref<16512x128xf32, #tpu.memory_space<hbm>>) offsets(%arg11 : memref<128xi32, #tpu.memory_space<vmem>>) semaphore(%arg17 : memref<!tpu.dma_semaphore, #tpu.memory_space<semaphore_mem>>)
          %dma_wait3A_432 = arith.constant 0 : i32
          %dma_wait3A_433 = arith.constant 0 : i32
          %dma_wait3A_434 = tpu.memref_slice %arg4[%dma_wait3A_432, %dma_wait3A_433] : memref<16512x128xf32, #tpu.memory_space<hbm>> -> memref<16512x128xf32, #tpu.memory_space<hbm>>
          tpu.wait_indirect_dma semaphore(%arg17 : memref<!tpu.dma_semaphore, #tpu.memory_space<semaphore_mem>>) src(%arg10 : memref<128x128xf32, #tpu.memory_space<vmem>>) dst(%dma_wait3A_434 : memref<16512x128xf32, #tpu.memory_space<hbm>>)
          %broadcast_in_dim3A_435 = arith.constant 16384 : i32
          %broadcast_in_dim3A_436 = vector.broadcast %broadcast_in_dim3A_435 : i32 to vector<16xi32>
          %swap3A_437 = arith.constant 0 : index
          %swap3A_438 = tpu.vector_load %arg11[%swap3A_437] {strides = array<i32>} : memref<128xi32, #tpu.memory_space<vmem>>, vector<16xi32>,
          tpu.vector_store %arg11[%swap3A_437], %broadcast_in_dim3A_436 {strides = array<i32>} : memref<128xi32, #tpu.memory_space<vmem>>, vector<16xi32>,
          %broadcast_in_dim3A_439 = arith.constant 16384 : i32
          %broadcast_in_dim3A_440 = vector.broadcast %broadcast_in_dim3A_439 : i32 to vector<16xi32>
          %swap3A_441 = arith.constant 16 : index
          %swap3A_442 = tpu.vector_load %arg11[%swap3A_441] {strides = array<i32>} : memref<128xi32, #tpu.memory_space<vmem>>, vector<16xi32>,
          tpu.vector_store %arg11[%swap3A_441], %broadcast_in_dim3A_440 {strides = array<i32>} : memref<128xi32, #tpu.memory_space<vmem>>, vector<16xi32>,
          %broadcast_in_dim3A_443 = arith.constant 16384 : i32
          %broadcast_in_dim3A_444 = vector.broadcast %broadcast_in_dim3A_443 : i32 to vector<16xi32>
          %swap3A_445 = arith.constant 32 : index
          %swap3A_446 = tpu.vector_load %arg11[%swap3A_445] {strides = array<i32>} : memref<128xi32, #tpu.memory_space<vmem>>, vector<16xi32>,
          tpu.vector_store %arg11[%swap3A_445], %broadcast_in_dim3A_444 {strides = array<i32>} : memref<128xi32, #tpu.memory_space<vmem>>, vector<16xi32>,
          %broadcast_in_dim3A_447 = arith.constant 16384 : i32
          %broadcast_in_dim3A_448 = vector.broadcast %broadcast_in_dim3A_447 : i32 to vector<16xi32>
          %swap3A_449 = arith.constant 48 : index
          %swap3A_450 = tpu.vector_load %arg11[%swap3A_449] {strides = array<i32>} : memref<128xi32, #tpu.memory_space<vmem>>, vector<16xi32>,
          tpu.vector_store %arg11[%swap3A_449], %broadcast_in_dim3A_448 {strides = array<i32>} : memref<128xi32, #tpu.memory_space<vmem>>, vector<16xi32>,
          %broadcast_in_dim3A_451 = arith.constant 16384 : i32
          %broadcast_in_dim3A_452 = vector.broadcast %broadcast_in_dim3A_451 : i32 to vector<16xi32>
          %swap3A_453 = arith.constant 64 : index
          %swap3A_454 = tpu.vector_load %arg11[%swap3A_453] {strides = array<i32>} : memref<128xi32, #tpu.memory_space<vmem>>, vector<16xi32>,
          tpu.vector_store %arg11[%swap3A_453], %broadcast_in_dim3A_452 {strides = array<i32>} : memref<128xi32, #tpu.memory_space<vmem>>, vector<16xi32>,
          %broadcast_in_dim3A_455 = arith.constant 16384 : i32
          %broadcast_in_dim3A_456 = vector.broadcast %broadcast_in_dim3A_455 : i32 to vector<16xi32>
          %swap3A_457 = arith.constant 80 : index
          %swap3A_458 = tpu.vector_load %arg11[%swap3A_457] {strides = array<i32>} : memref<128xi32, #tpu.memory_space<vmem>>, vector<16xi32>,
          tpu.vector_store %arg11[%swap3A_457], %broadcast_in_dim3A_456 {strides = array<i32>} : memref<128xi32, #tpu.memory_space<vmem>>, vector<16xi32>,
          %broadcast_in_dim3A_459 = arith.constant 16384 : i32
          %broadcast_in_dim3A_460 = vector.broadcast %broadcast_in_dim3A_459 : i32 to vector<16xi32>
          %swap3A_461 = arith.constant 96 : index
          %swap3A_462 = tpu.vector_load %arg11[%swap3A_461] {strides = array<i32>} : memref<128xi32, #tpu.memory_space<vmem>>, vector<16xi32>,
          tpu.vector_store %arg11[%swap3A_461], %broadcast_in_dim3A_460 {strides = array<i32>} : memref<128xi32, #tpu.memory_space<vmem>>, vector<16xi32>,
          %broadcast_in_dim3A_463 = arith.constant 16384 : i32
          %broadcast_in_dim3A_464 = vector.broadcast %broadcast_in_dim3A_463 : i32 to vector<16xi32>
          %swap3A_465 = arith.constant 112 : index
          %swap3A_466 = tpu.vector_load %arg11[%swap3A_465] {strides = array<i32>} : memref<128xi32, #tpu.memory_space<vmem>>, vector<16xi32>,
          tpu.vector_store %arg11[%swap3A_465], %broadcast_in_dim3A_464 {strides = array<i32>} : memref<128xi32, #tpu.memory_space<vmem>>, vector<16xi32>,
        } else {
        }
        %eq3A_425 = arith.constant 128 : i32
        %eq3A_426 = arith.cmpi eq, %add3A_419, %eq3A_425 : i32
        %jit3A_427 = arith.constant 0 : i32
        %select_n3A_428 = arith.select %eq3A_426, %jit3A_427, %add3A_419 : i32
        scf.yield %select_n3A_428 : i32
      }
      %while3A_346 = arith.constant 1 : i32
      %while3A_347 = scf.for %while3A_377 = %while3A_343 to %while3A_339 step %while3A_346 iter_args(%while3A_378 = %while3A_345) -> (i32)  : i32 {
        %get3A_379 = arith.index_cast %while3A_377 : i32 to index
        %get3A_380 = tpu.vector_load %arg7[%get3A_379] {strides = array<i32>} : memref<16400xi32, #tpu.memory_space<vmem>>, vector<16xi32>,
        %slice3A = vector.extract_strided_slice %get3A_380 {offsets = [0], sizes = [1], strides = [1]} : vector<16xi32> to vector<1xi32>
        %squeeze3A = vector.extract %slice3A[0] : i32 from vector<1xi32>
        %and3A = arith.constant 16383 : i32
        %and3A_381 = arith.andi %squeeze3A, %and3A : i32
        %shift_right_logical3A = arith.constant 14 : i32
        %shift_right_logical3A_382 = arith.shrui %squeeze3A, %shift_right_logical3A : i32
        %sub3A_383 = arith.subi %shift_right_logical3A_382, %mul3A_332 : i32
        %jit3A_384 = arith.constant 0 : i32
        %jit3A_385 = arith.constant 511 : i32
        %max3A = arith.maxsi %jit3A_384, %sub3A_383 : i32
        %min3A = arith.minsi %jit3A_385, %max3A : i32
        %iota3A = tpu.iota {dimensions = array<i32: 0>} : vector<16xi32>
        %broadcast_in_dim3A_386 = arith.constant 0 : i32
        %broadcast_in_dim3A_387 = vector.broadcast %broadcast_in_dim3A_386 : i32 to vector<16xi32>
        %add3A_388 = arith.addi %iota3A, %broadcast_in_dim3A_387 : vector<16xi32>
        %broadcast_in_dim3A_389 = vector.broadcast %min3A : i32 to vector<16xi32>
        %gather3A = tpu.vector_load_idx %arg8[%add3A_388, %broadcast_in_dim3A_389] : memref<64x512xf32, #tpu.memory_space<vmem>>[vector<16xi32>, vector<16xi32>], vector<16xf32>,
        %broadcast_in_dim3A_390 = vector.broadcast %while3A_378 : i32 to vector<16xi32>
        tpu.vector_store_idx %arg10[%broadcast_in_dim3A_390, %add3A_388], %gather3A : memref<128x128xf32, #tpu.memory_space<vmem>>[vector<16xi32>, vector<16xi32>], vector<16xf32>,
        %iota3A_391 = tpu.iota {dimensions = array<i32: 0>} : vector<16xi32>
        %broadcast_in_dim3A_392 = arith.constant 16 : i32
        %broadcast_in_dim3A_393 = vector.broadcast %broadcast_in_dim3A_392 : i32 to vector<16xi32>
        %add3A_394 = arith.addi %iota3A_391, %broadcast_in_dim3A_393 : vector<16xi32>
        %broadcast_in_dim3A_395 = vector.broadcast %min3A : i32 to vector<16xi32>
        %gather3A_396 = tpu.vector_load_idx %arg8[%add3A_394, %broadcast_in_dim3A_395] : memref<64x512xf32, #tpu.memory_space<vmem>>[vector<16xi32>, vector<16xi32>], vector<16xf32>,
        %broadcast_in_dim3A_397 = vector.broadcast %while3A_378 : i32 to vector<16xi32>
        tpu.vector_store_idx %arg10[%broadcast_in_dim3A_397, %add3A_394], %gather3A_396 : memref<128x128xf32, #tpu.memory_space<vmem>>[vector<16xi32>, vector<16xi32>], vector<16xf32>,
        %iota3A_398 = tpu.iota {dimensions = array<i32: 0>} : vector<16xi32>
        %broadcast_in_dim3A_399 = arith.constant 32 : i32
        %broadcast_in_dim3A_400 = vector.broadcast %broadcast_in_dim3A_399 : i32 to vector<16xi32>
        %add3A_401 = arith.addi %iota3A_398, %broadcast_in_dim3A_400 : vector<16xi32>
        %broadcast_in_dim3A_402 = vector.broadcast %min3A : i32 to vector<16xi32>
        %gather3A_403 = tpu.vector_load_idx %arg8[%add3A_401, %broadcast_in_dim3A_402] : memref<64x512xf32, #tpu.memory_space<vmem>>[vector<16xi32>, vector<16xi32>], vector<16xf32>,
        %broadcast_in_dim3A_404 = vector.broadcast %while3A_378 : i32 to vector<16xi32>
        tpu.vector_store_idx %arg10[%broadcast_in_dim3A_404, %add3A_401], %gather3A_403 : memref<128x128xf32, #tpu.memory_space<vmem>>[vector<16xi32>, vector<16xi32>], vector<16xf32>,
        %iota3A_405 = tpu.iota {dimensions = array<i32: 0>} : vector<16xi32>
        %broadcast_in_dim3A_406 = arith.constant 48 : i32
        %broadcast_in_dim3A_407 = vector.broadcast %broadcast_in_dim3A_406 : i32 to vector<16xi32>
        %add3A_408 = arith.addi %iota3A_405, %broadcast_in_dim3A_407 : vector<16xi32>
        %broadcast_in_dim3A_409 = vector.broadcast %min3A : i32 to vector<16xi32>
        %gather3A_410 = tpu.vector_load_idx %arg8[%add3A_408, %broadcast_in_dim3A_409] : memref<64x512xf32, #tpu.memory_space<vmem>>[vector<16xi32>, vector<16xi32>], vector<16xf32>,
        %broadcast_in_dim3A_411 = vector.broadcast %while3A_378 : i32 to vector<16xi32>
        tpu.vector_store_idx %arg10[%broadcast_in_dim3A_411, %add3A_408], %gather3A_410 : memref<128x128xf32, #tpu.memory_space<vmem>>[vector<16xi32>, vector<16xi32>], vector<16xf32>,
        %broadcast_in_dim3A_412 = vector.broadcast %while3A_378 : i32 to vector<16xi32>
        %broadcast_in_dim3A_413 = vector.broadcast %and3A_381 : i32 to vector<16xi32>
        %iota3A_414 = tpu.iota {dimensions = array<i32: 0>} : vector<16xi32>
        %eq3A_415 = arith.constant 0 : i32
        %eq3A_416 = vector.broadcast %eq3A_415 : i32 to vector<16xi32>
        %eq3A_417 = arith.cmpi eq, %iota3A_414, %eq3A_416 : vector<16xi32>
        tpu.vector_store_idx %arg11[%broadcast_in_dim3A_412], %broadcast_in_dim3A_413 masked %eq3A_417 : memref<128xi32, #tpu.memory_space<vmem>>[vector<16xi32>], vector<16xi32>, vector<16xi1>
        %add3A_418 = arith.constant 1 : i32
        %add3A_419 = arith.addi %while3A_378, %add3A_418 : i32
        %eq3A_420 = arith.constant 128 : i32
        %eq3A_421 = arith.cmpi eq, %add3A_419, %eq3A_420 : i32
        %convert_element_type3A_422 = arith.extui %eq3A_421 : i1 to i32
        %cond3A_423 = arith.constant 0 : i32
        %cond3A_424 = arith.cmpi ne, %convert_element_type3A_422, %cond3A_423 : i32
        scf.if %cond3A_424 {
          %dma_start3A_429 = arith.constant 0 : i32
          %dma_start3A_430 = arith.constant 0 : i32
          %dma_start3A_431 = tpu.memref_slice %arg4[%dma_start3A_429, %dma_start3A_430] : memref<16512x128xf32, #tpu.memory_space<hbm>> -> memref<16512x128xf32, #tpu.memory_space<hbm>>
          tpu.enqueue_indirect_dma source(%arg10 : memref<128x128xf32, #tpu.memory_space<vmem>>) target(%dma_start3A_431 : memref<16512x128xf32, #tpu.memory_space<hbm>>) offsets(%arg11 : memref<128xi32, #tpu.memory_space<vmem>>) semaphore(%arg17 : memref<!tpu.dma_semaphore, #tpu.memory_space<semaphore_mem>>)
          %dma_wait3A_432 = arith.constant 0 : i32
          %dma_wait3A_433 = arith.constant 0 : i32
          %dma_wait3A_434 = tpu.memref_slice %arg4[%dma_wait3A_432, %dma_wait3A_433] : memref<16512x128xf32, #tpu.memory_space<hbm>> -> memref<16512x128xf32, #tpu.memory_space<hbm>>
          tpu.wait_indirect_dma semaphore(%arg17 : memref<!tpu.dma_semaphore, #tpu.memory_space<semaphore_mem>>) src(%arg10 : memref<128x128xf32, #tpu.memory_space<vmem>>) dst(%dma_wait3A_434 : memref<16512x128xf32, #tpu.memory_space<hbm>>)
          %broadcast_in_dim3A_435 = arith.constant 16384 : i32
          %broadcast_in_dim3A_436 = vector.broadcast %broadcast_in_dim3A_435 : i32 to vector<16xi32>
          %swap3A_437 = arith.constant 0 : index
          %swap3A_438 = tpu.vector_load %arg11[%swap3A_437] {strides = array<i32>} : memref<128xi32, #tpu.memory_space<vmem>>, vector<16xi32>,
          tpu.vector_store %arg11[%swap3A_437], %broadcast_in_dim3A_436 {strides = array<i32>} : memref<128xi32, #tpu.memory_space<vmem>>, vector<16xi32>,
          %broadcast_in_dim3A_439 = arith.constant 16384 : i32
          %broadcast_in_dim3A_440 = vector.broadcast %broadcast_in_dim3A_439 : i32 to vector<16xi32>
          %swap3A_441 = arith.constant 16 : index
          %swap3A_442 = tpu.vector_load %arg11[%swap3A_441] {strides = array<i32>} : memref<128xi32, #tpu.memory_space<vmem>>, vector<16xi32>,
          tpu.vector_store %arg11[%swap3A_441], %broadcast_in_dim3A_440 {strides = array<i32>} : memref<128xi32, #tpu.memory_space<vmem>>, vector<16xi32>,
          %broadcast_in_dim3A_443 = arith.constant 16384 : i32
          %broadcast_in_dim3A_444 = vector.broadcast %broadcast_in_dim3A_443 : i32 to vector<16xi32>
          %swap3A_445 = arith.constant 32 : index
          %swap3A_446 = tpu.vector_load %arg11[%swap3A_445] {strides = array<i32>} : memref<128xi32, #tpu.memory_space<vmem>>, vector<16xi32>,
          tpu.vector_store %arg11[%swap3A_445], %broadcast_in_dim3A_444 {strides = array<i32>} : memref<128xi32, #tpu.memory_space<vmem>>, vector<16xi32>,
          %broadcast_in_dim3A_447 = arith.constant 16384 : i32
          %broadcast_in_dim3A_448 = vector.broadcast %broadcast_in_dim3A_447 : i32 to vector<16xi32>
          %swap3A_449 = arith.constant 48 : index
          %swap3A_450 = tpu.vector_load %arg11[%swap3A_449] {strides = array<i32>} : memref<128xi32, #tpu.memory_space<vmem>>, vector<16xi32>,
          tpu.vector_store %arg11[%swap3A_449], %broadcast_in_dim3A_448 {strides = array<i32>} : memref<128xi32, #tpu.memory_space<vmem>>, vector<16xi32>,
          %broadcast_in_dim3A_451 = arith.constant 16384 : i32
          %broadcast_in_dim3A_452 = vector.broadcast %broadcast_in_dim3A_451 : i32 to vector<16xi32>
          %swap3A_453 = arith.constant 64 : index
          %swap3A_454 = tpu.vector_load %arg11[%swap3A_453] {strides = array<i32>} : memref<128xi32, #tpu.memory_space<vmem>>, vector<16xi32>,
          tpu.vector_store %arg11[%swap3A_453], %broadcast_in_dim3A_452 {strides = array<i32>} : memref<128xi32, #tpu.memory_space<vmem>>, vector<16xi32>,
          %broadcast_in_dim3A_455 = arith.constant 16384 : i32
          %broadcast_in_dim3A_456 = vector.broadcast %broadcast_in_dim3A_455 : i32 to vector<16xi32>
          %swap3A_457 = arith.constant 80 : index
          %swap3A_458 = tpu.vector_load %arg11[%swap3A_457] {strides = array<i32>} : memref<128xi32, #tpu.memory_space<vmem>>, vector<16xi32>,
          tpu.vector_store %arg11[%swap3A_457], %broadcast_in_dim3A_456 {strides = array<i32>} : memref<128xi32, #tpu.memory_space<vmem>>, vector<16xi32>,
          %broadcast_in_dim3A_459 = arith.constant 16384 : i32
          %broadcast_in_dim3A_460 = vector.broadcast %broadcast_in_dim3A_459 : i32 to vector<16xi32>
          %swap3A_461 = arith.constant 96 : index
          %swap3A_462 = tpu.vector_load %arg11[%swap3A_461] {strides = array<i32>} : memref<128xi32, #tpu.memory_space<vmem>>, vector<16xi32>,
          tpu.vector_store %arg11[%swap3A_461], %broadcast_in_dim3A_460 {strides = array<i32>} : memref<128xi32, #tpu.memory_space<vmem>>, vector<16xi32>,
          %broadcast_in_dim3A_463 = arith.constant 16384 : i32
          %broadcast_in_dim3A_464 = vector.broadcast %broadcast_in_dim3A_463 : i32 to vector<16xi32>
          %swap3A_465 = arith.constant 112 : index
          %swap3A_466 = tpu.vector_load %arg11[%swap3A_465] {strides = array<i32>} : memref<128xi32, #tpu.memory_space<vmem>>, vector<16xi32>,
          tpu.vector_store %arg11[%swap3A_465], %broadcast_in_dim3A_464 {strides = array<i32>} : memref<128xi32, #tpu.memory_space<vmem>>, vector<16xi32>,
        } else {
        }
        %eq3A_425 = arith.constant 128 : i32
        %eq3A_426 = arith.cmpi eq, %add3A_419, %eq3A_425 : i32
        %jit3A_427 = arith.constant 0 : i32
        %select_n3A_428 = arith.select %eq3A_426, %jit3A_427, %add3A_419 : i32
        scf.yield %select_n3A_428 : i32
      }
      %lt3A = arith.constant 30 : i32
      %lt3A_348 = arith.cmpi slt, %scan3A_311, %lt3A : i32
      %convert_element_type3A_349 = arith.extui %lt3A_348 : i1 to i32
      %cond3A_350 = arith.constant 0 : i32
      %cond3A_351 = arith.cmpi ne, %convert_element_type3A_349, %cond3A_350 : i32
      scf.if %cond3A_351 {
        %add3A_377 = arith.constant 2 : i32
        %add3A_378 = arith.addi %mul3A_314, %add3A_377 : i32
        %mul3A_379 = arith.constant 512 : i32
        %mul3A_380 = arith.muli %add3A_378, %mul3A_379 : i32
        %add3A_381 = arith.addi %mul3A_2, %mul3A_380 : i32
        %multiple_of3A_382 = tpu.assume_multiple %add3A_381, 128 : i32
        %dma_start3A_383 = arith.constant 0 : i32
        %dma_start3A_384 = tpu.memref_slice %arg2[%dma_start3A_383, %multiple_of3A_382] : memref<64x1000001xf32, #tpu.memory_space<hbm>> -> memref<64x512xf32, #tpu.memory_space<hbm>>
        %dma_start3A_385 = arith.constant 0 : i32
        %dma_start3A_386 = tpu.memref_slice %arg2[%dma_start3A_385, %multiple_of3A_382] : memref<64x1000001xf32, #tpu.memory_space<hbm>> -> memref<64x512xf32, #tpu.memory_space<hbm>>
        tpu.enqueue_dma source(%dma_start3A_386 : memref<64x512xf32, #tpu.memory_space<hbm>>) target(%arg8 : memref<64x512xf32, #tpu.memory_space<vmem>>) target_semaphore(%arg15 : memref<!tpu.dma_semaphore, #tpu.memory_space<semaphore_mem>>)
      } else {
      }
      %dma_wait3A_352 = arith.constant 0 : i32
      %dma_wait3A_353 = tpu.memref_slice %arg2[%dma_wait3A_352, %multiple_of3A_320] : memref<64x1000001xf32, #tpu.memory_space<hbm>> -> memref<64x512xf32, #tpu.memory_space<hbm>>
      %dma_wait3A_354 = arith.constant 0 : i32
      %dma_wait3A_355 = tpu.memref_slice %arg2[%dma_wait3A_354, %multiple_of3A_320] : memref<64x1000001xf32, #tpu.memory_space<hbm>> -> memref<64x512xf32, #tpu.memory_space<hbm>>
      tpu.wait_dma2 semaphore(%arg16 : memref<!tpu.dma_semaphore, #tpu.memory_space<semaphore_mem>>) src(%dma_wait3A_355 : memref<64x512xf32, #tpu.memory_space<hbm>>) dst(%arg9 : memref<64x512xf32, #tpu.memory_space<vmem>>)
      %add3A_356 = arith.constant 1 : i32
      %add3A_357 = arith.addi %mul3A_314, %add3A_356 : i32
      %add3A_358 = arith.constant 1 : i32
      %add3A_359 = arith.addi %mul3A_314, %add3A_358 : i32
      %mul3A_360 = arith.constant 512 : i32
      %mul3A_361 = arith.muli %add3A_359, %mul3A_360 : i32
      %get3A_362 = arith.index_cast %add3A_357 : i32 to index
      %get3A_363 = memref.load %arg12[%get3A_362] : memref<64xi32, #tpu.memory_space<smem>>
      %get3A_364 = arith.index_cast %add3A_357 : i32 to index
      %get3A_365 = memref.load %arg13[%get3A_364] : memref<64xi32, #tpu.memory_space<smem>>
      %add3A_366 = arith.addi %get3A_363, %get3A_365 : i32
      %while3A_367 = arith.subi %add3A_366, %get3A_363 : i32
      %while3A_368 = arith.addi %get3A_363, %while3A_367 : i32
      %while3A_369 = arith.constant 1 : i32
      %while3A_370 = arith.divsi %while3A_367, %while3A_369 : i32
      %while3A_371 = arith.muli %while3A_370, %while3A_369 : i32
      %while3A_372 = arith.addi %get3A_363, %while3A_371 : i32
      %while3A_373 = arith.constant 1 : i32
      %while3A_374 = scf.for %while3A_377 = %get3A_363 to %while3A_372 step %while3A_373 iter_args(%while3A_378 = %while3A_347) -> (i32)  : i32 {
        %get3A_379 = arith.index_cast %while3A_377 : i32 to index
        %get3A_380 = tpu.vector_load %arg7[%get3A_379] {strides = array<i32>} : memref<16400xi32, #tpu.memory_space<vmem>>, vector<16xi32>,
        %slice3A = vector.extract_strided_slice %get3A_380 {offsets = [0], sizes = [1], strides = [1]} : vector<16xi32> to vector<1xi32>
        %squeeze3A = vector.extract %slice3A[0] : i32 from vector<1xi32>
        %and3A = arith.constant 16383 : i32
        %and3A_381 = arith.andi %squeeze3A, %and3A : i32
        %shift_right_logical3A = arith.constant 14 : i32
        %shift_right_logical3A_382 = arith.shrui %squeeze3A, %shift_right_logical3A : i32
        %sub3A_383 = arith.subi %shift_right_logical3A_382, %mul3A_361 : i32
        %jit3A_384 = arith.constant 0 : i32
        %jit3A_385 = arith.constant 511 : i32
        %max3A = arith.maxsi %jit3A_384, %sub3A_383 : i32
        %min3A = arith.minsi %jit3A_385, %max3A : i32
        %iota3A = tpu.iota {dimensions = array<i32: 0>} : vector<16xi32>
        %broadcast_in_dim3A_386 = arith.constant 0 : i32
        %broadcast_in_dim3A_387 = vector.broadcast %broadcast_in_dim3A_386 : i32 to vector<16xi32>
        %add3A_388 = arith.addi %iota3A, %broadcast_in_dim3A_387 : vector<16xi32>
        %broadcast_in_dim3A_389 = vector.broadcast %min3A : i32 to vector<16xi32>
        %gather3A = tpu.vector_load_idx %arg9[%add3A_388, %broadcast_in_dim3A_389] : memref<64x512xf32, #tpu.memory_space<vmem>>[vector<16xi32>, vector<16xi32>], vector<16xf32>,
        %broadcast_in_dim3A_390 = vector.broadcast %while3A_378 : i32 to vector<16xi32>
        tpu.vector_store_idx %arg10[%broadcast_in_dim3A_390, %add3A_388], %gather3A : memref<128x128xf32, #tpu.memory_space<vmem>>[vector<16xi32>, vector<16xi32>], vector<16xf32>,
        %iota3A_391 = tpu.iota {dimensions = array<i32: 0>} : vector<16xi32>
        %broadcast_in_dim3A_392 = arith.constant 16 : i32
        %broadcast_in_dim3A_393 = vector.broadcast %broadcast_in_dim3A_392 : i32 to vector<16xi32>
        %add3A_394 = arith.addi %iota3A_391, %broadcast_in_dim3A_393 : vector<16xi32>
        %broadcast_in_dim3A_395 = vector.broadcast %min3A : i32 to vector<16xi32>
        %gather3A_396 = tpu.vector_load_idx %arg9[%add3A_394, %broadcast_in_dim3A_395] : memref<64x512xf32, #tpu.memory_space<vmem>>[vector<16xi32>, vector<16xi32>], vector<16xf32>,
        %broadcast_in_dim3A_397 = vector.broadcast %while3A_378 : i32 to vector<16xi32>
        tpu.vector_store_idx %arg10[%broadcast_in_dim3A_397, %add3A_394], %gather3A_396 : memref<128x128xf32, #tpu.memory_space<vmem>>[vector<16xi32>, vector<16xi32>], vector<16xf32>,
        %iota3A_398 = tpu.iota {dimensions = array<i32: 0>} : vector<16xi32>
        %broadcast_in_dim3A_399 = arith.constant 32 : i32
        %broadcast_in_dim3A_400 = vector.broadcast %broadcast_in_dim3A_399 : i32 to vector<16xi32>
        %add3A_401 = arith.addi %iota3A_398, %broadcast_in_dim3A_400 : vector<16xi32>
        %broadcast_in_dim3A_402 = vector.broadcast %min3A : i32 to vector<16xi32>
        %gather3A_403 = tpu.vector_load_idx %arg9[%add3A_401, %broadcast_in_dim3A_402] : memref<64x512xf32, #tpu.memory_space<vmem>>[vector<16xi32>, vector<16xi32>], vector<16xf32>,
        %broadcast_in_dim3A_404 = vector.broadcast %while3A_378 : i32 to vector<16xi32>
        tpu.vector_store_idx %arg10[%broadcast_in_dim3A_404, %add3A_401], %gather3A_403 : memref<128x128xf32, #tpu.memory_space<vmem>>[vector<16xi32>, vector<16xi32>], vector<16xf32>,
        %iota3A_405 = tpu.iota {dimensions = array<i32: 0>} : vector<16xi32>
        %broadcast_in_dim3A_406 = arith.constant 48 : i32
        %broadcast_in_dim3A_407 = vector.broadcast %broadcast_in_dim3A_406 : i32 to vector<16xi32>
        %add3A_408 = arith.addi %iota3A_405, %broadcast_in_dim3A_407 : vector<16xi32>
        %broadcast_in_dim3A_409 = vector.broadcast %min3A : i32 to vector<16xi32>
        %gather3A_410 = tpu.vector_load_idx %arg9[%add3A_408, %broadcast_in_dim3A_409] : memref<64x512xf32, #tpu.memory_space<vmem>>[vector<16xi32>, vector<16xi32>], vector<16xf32>,
        %broadcast_in_dim3A_411 = vector.broadcast %while3A_378 : i32 to vector<16xi32>
        tpu.vector_store_idx %arg10[%broadcast_in_dim3A_411, %add3A_408], %gather3A_410 : memref<128x128xf32, #tpu.memory_space<vmem>>[vector<16xi32>, vector<16xi32>], vector<16xf32>,
        %broadcast_in_dim3A_412 = vector.broadcast %while3A_378 : i32 to vector<16xi32>
        %broadcast_in_dim3A_413 = vector.broadcast %and3A_381 : i32 to vector<16xi32>
        %iota3A_414 = tpu.iota {dimensions = array<i32: 0>} : vector<16xi32>
        %eq3A_415 = arith.constant 0 : i32
        %eq3A_416 = vector.broadcast %eq3A_415 : i32 to vector<16xi32>
        %eq3A_417 = arith.cmpi eq, %iota3A_414, %eq3A_416 : vector<16xi32>
        tpu.vector_store_idx %arg11[%broadcast_in_dim3A_412], %broadcast_in_dim3A_413 masked %eq3A_417 : memref<128xi32, #tpu.memory_space<vmem>>[vector<16xi32>], vector<16xi32>, vector<16xi1>
        %add3A_418 = arith.constant 1 : i32
        %add3A_419 = arith.addi %while3A_378, %add3A_418 : i32
        %eq3A_420 = arith.constant 128 : i32
        %eq3A_421 = arith.cmpi eq, %add3A_419, %eq3A_420 : i32
        %convert_element_type3A_422 = arith.extui %eq3A_421 : i1 to i32
        %cond3A_423 = arith.constant 0 : i32
        %cond3A_424 = arith.cmpi ne, %convert_element_type3A_422, %cond3A_423 : i32
        scf.if %cond3A_424 {
          %dma_start3A_429 = arith.constant 0 : i32
          %dma_start3A_430 = arith.constant 0 : i32
          %dma_start3A_431 = tpu.memref_slice %arg4[%dma_start3A_429, %dma_start3A_430] : memref<16512x128xf32, #tpu.memory_space<hbm>> -> memref<16512x128xf32, #tpu.memory_space<hbm>>
          tpu.enqueue_indirect_dma source(%arg10 : memref<128x128xf32, #tpu.memory_space<vmem>>) target(%dma_start3A_431 : memref<16512x128xf32, #tpu.memory_space<hbm>>) offsets(%arg11 : memref<128xi32, #tpu.memory_space<vmem>>) semaphore(%arg17 : memref<!tpu.dma_semaphore, #tpu.memory_space<semaphore_mem>>)
          %dma_wait3A_432 = arith.constant 0 : i32
          %dma_wait3A_433 = arith.constant 0 : i32
          %dma_wait3A_434 = tpu.memref_slice %arg4[%dma_wait3A_432, %dma_wait3A_433] : memref<16512x128xf32, #tpu.memory_space<hbm>> -> memref<16512x128xf32, #tpu.memory_space<hbm>>
          tpu.wait_indirect_dma semaphore(%arg17 : memref<!tpu.dma_semaphore, #tpu.memory_space<semaphore_mem>>) src(%arg10 : memref<128x128xf32, #tpu.memory_space<vmem>>) dst(%dma_wait3A_434 : memref<16512x128xf32, #tpu.memory_space<hbm>>)
          %broadcast_in_dim3A_435 = arith.constant 16384 : i32
          %broadcast_in_dim3A_436 = vector.broadcast %broadcast_in_dim3A_435 : i32 to vector<16xi32>
          %swap3A_437 = arith.constant 0 : index
          %swap3A_438 = tpu.vector_load %arg11[%swap3A_437] {strides = array<i32>} : memref<128xi32, #tpu.memory_space<vmem>>, vector<16xi32>,
          tpu.vector_store %arg11[%swap3A_437], %broadcast_in_dim3A_436 {strides = array<i32>} : memref<128xi32, #tpu.memory_space<vmem>>, vector<16xi32>,
          %broadcast_in_dim3A_439 = arith.constant 16384 : i32
          %broadcast_in_dim3A_440 = vector.broadcast %broadcast_in_dim3A_439 : i32 to vector<16xi32>
          %swap3A_441 = arith.constant 16 : index
          %swap3A_442 = tpu.vector_load %arg11[%swap3A_441] {strides = array<i32>} : memref<128xi32, #tpu.memory_space<vmem>>, vector<16xi32>,
          tpu.vector_store %arg11[%swap3A_441], %broadcast_in_dim3A_440 {strides = array<i32>} : memref<128xi32, #tpu.memory_space<vmem>>, vector<16xi32>,
          %broadcast_in_dim3A_443 = arith.constant 16384 : i32
          %broadcast_in_dim3A_444 = vector.broadcast %broadcast_in_dim3A_443 : i32 to vector<16xi32>
          %swap3A_445 = arith.constant 32 : index
          %swap3A_446 = tpu.vector_load %arg11[%swap3A_445] {strides = array<i32>} : memref<128xi32, #tpu.memory_space<vmem>>, vector<16xi32>,
          tpu.vector_store %arg11[%swap3A_445], %broadcast_in_dim3A_444 {strides = array<i32>} : memref<128xi32, #tpu.memory_space<vmem>>, vector<16xi32>,
          %broadcast_in_dim3A_447 = arith.constant 16384 : i32
          %broadcast_in_dim3A_448 = vector.broadcast %broadcast_in_dim3A_447 : i32 to vector<16xi32>
          %swap3A_449 = arith.constant 48 : index
          %swap3A_450 = tpu.vector_load %arg11[%swap3A_449] {strides = array<i32>} : memref<128xi32, #tpu.memory_space<vmem>>, vector<16xi32>,
          tpu.vector_store %arg11[%swap3A_449], %broadcast_in_dim3A_448 {strides = array<i32>} : memref<128xi32, #tpu.memory_space<vmem>>, vector<16xi32>,
          %broadcast_in_dim3A_451 = arith.constant 16384 : i32
          %broadcast_in_dim3A_452 = vector.broadcast %broadcast_in_dim3A_451 : i32 to vector<16xi32>
          %swap3A_453 = arith.constant 64 : index
          %swap3A_454 = tpu.vector_load %arg11[%swap3A_453] {strides = array<i32>} : memref<128xi32, #tpu.memory_space<vmem>>, vector<16xi32>,
          tpu.vector_store %arg11[%swap3A_453], %broadcast_in_dim3A_452 {strides = array<i32>} : memref<128xi32, #tpu.memory_space<vmem>>, vector<16xi32>,
          %broadcast_in_dim3A_455 = arith.constant 16384 : i32
          %broadcast_in_dim3A_456 = vector.broadcast %broadcast_in_dim3A_455 : i32 to vector<16xi32>
          %swap3A_457 = arith.constant 80 : index
          %swap3A_458 = tpu.vector_load %arg11[%swap3A_457] {strides = array<i32>} : memref<128xi32, #tpu.memory_space<vmem>>, vector<16xi32>,
          tpu.vector_store %arg11[%swap3A_457], %broadcast_in_dim3A_456 {strides = array<i32>} : memref<128xi32, #tpu.memory_space<vmem>>, vector<16xi32>,
          %broadcast_in_dim3A_459 = arith.constant 16384 : i32
          %broadcast_in_dim3A_460 = vector.broadcast %broadcast_in_dim3A_459 : i32 to vector<16xi32>
          %swap3A_461 = arith.constant 96 : index
          %swap3A_462 = tpu.vector_load %arg11[%swap3A_461] {strides = array<i32>} : memref<128xi32, #tpu.memory_space<vmem>>, vector<16xi32>,
          tpu.vector_store %arg11[%swap3A_461], %broadcast_in_dim3A_460 {strides = array<i32>} : memref<128xi32, #tpu.memory_space<vmem>>, vector<16xi32>,
          %broadcast_in_dim3A_463 = arith.constant 16384 : i32
          %broadcast_in_dim3A_464 = vector.broadcast %broadcast_in_dim3A_463 : i32 to vector<16xi32>
          %swap3A_465 = arith.constant 112 : index
          %swap3A_466 = tpu.vector_load %arg11[%swap3A_465] {strides = array<i32>} : memref<128xi32, #tpu.memory_space<vmem>>, vector<16xi32>,
          tpu.vector_store %arg11[%swap3A_465], %broadcast_in_dim3A_464 {strides = array<i32>} : memref<128xi32, #tpu.memory_space<vmem>>, vector<16xi32>,
        } else {
        }
        %eq3A_425 = arith.constant 128 : i32
        %eq3A_426 = arith.cmpi eq, %add3A_419, %eq3A_425 : i32
        %jit3A_427 = arith.constant 0 : i32
        %select_n3A_428 = arith.select %eq3A_426, %jit3A_427, %add3A_419 : i32
        scf.yield %select_n3A_428 : i32
      }
      %while3A_375 = arith.constant 1 : i32
      %while3A_376 = scf.for %while3A_377 = %while3A_372 to %while3A_368 step %while3A_375 iter_args(%while3A_378 = %while3A_374) -> (i32)  : i32 {
        %get3A_379 = arith.index_cast %while3A_377 : i32 to index
        %get3A_380 = tpu.vector_load %arg7[%get3A_379] {strides = array<i32>} : memref<16400xi32, #tpu.memory_space<vmem>>, vector<16xi32>,
        %slice3A = vector.extract_strided_slice %get3A_380 {offsets = [0], sizes = [1], strides = [1]} : vector<16xi32> to vector<1xi32>
        %squeeze3A = vector.extract %slice3A[0] : i32 from vector<1xi32>
        %and3A = arith.constant 16383 : i32
        %and3A_381 = arith.andi %squeeze3A, %and3A : i32
        %shift_right_logical3A = arith.constant 14 : i32
        %shift_right_logical3A_382 = arith.shrui %squeeze3A, %shift_right_logical3A : i32
        %sub3A_383 = arith.subi %shift_right_logical3A_382, %mul3A_361 : i32
        %jit3A_384 = arith.constant 0 : i32
        %jit3A_385 = arith.constant 511 : i32
        %max3A = arith.maxsi %jit3A_384, %sub3A_383 : i32
        %min3A = arith.minsi %jit3A_385, %max3A : i32
        %iota3A = tpu.iota {dimensions = array<i32: 0>} : vector<16xi32>
        %broadcast_in_dim3A_386 = arith.constant 0 : i32
        %broadcast_in_dim3A_387 = vector.broadcast %broadcast_in_dim3A_386 : i32 to vector<16xi32>
        %add3A_388 = arith.addi %iota3A, %broadcast_in_dim3A_387 : vector<16xi32>
        %broadcast_in_dim3A_389 = vector.broadcast %min3A : i32 to vector<16xi32>
        %gather3A = tpu.vector_load_idx %arg9[%add3A_388, %broadcast_in_dim3A_389] : memref<64x512xf32, #tpu.memory_space<vmem>>[vector<16xi32>, vector<16xi32>], vector<16xf32>,
        %broadcast_in_dim3A_390 = vector.broadcast %while3A_378 : i32 to vector<16xi32>
        tpu.vector_store_idx %arg10[%broadcast_in_dim3A_390, %add3A_388], %gather3A : memref<128x128xf32, #tpu.memory_space<vmem>>[vector<16xi32>, vector<16xi32>], vector<16xf32>,
        %iota3A_391 = tpu.iota {dimensions = array<i32: 0>} : vector<16xi32>
        %broadcast_in_dim3A_392 = arith.constant 16 : i32
        %broadcast_in_dim3A_393 = vector.broadcast %broadcast_in_dim3A_392 : i32 to vector<16xi32>
        %add3A_394 = arith.addi %iota3A_391, %broadcast_in_dim3A_393 : vector<16xi32>
        %broadcast_in_dim3A_395 = vector.broadcast %min3A : i32 to vector<16xi32>
        %gather3A_396 = tpu.vector_load_idx %arg9[%add3A_394, %broadcast_in_dim3A_395] : memref<64x512xf32, #tpu.memory_space<vmem>>[vector<16xi32>, vector<16xi32>], vector<16xf32>,
        %broadcast_in_dim3A_397 = vector.broadcast %while3A_378 : i32 to vector<16xi32>
        tpu.vector_store_idx %arg10[%broadcast_in_dim3A_397, %add3A_394], %gather3A_396 : memref<128x128xf32, #tpu.memory_space<vmem>>[vector<16xi32>, vector<16xi32>], vector<16xf32>,
        %iota3A_398 = tpu.iota {dimensions = array<i32: 0>} : vector<16xi32>
        %broadcast_in_dim3A_399 = arith.constant 32 : i32
        %broadcast_in_dim3A_400 = vector.broadcast %broadcast_in_dim3A_399 : i32 to vector<16xi32>
        %add3A_401 = arith.addi %iota3A_398, %broadcast_in_dim3A_400 : vector<16xi32>
        %broadcast_in_dim3A_402 = vector.broadcast %min3A : i32 to vector<16xi32>
        %gather3A_403 = tpu.vector_load_idx %arg9[%add3A_401, %broadcast_in_dim3A_402] : memref<64x512xf32, #tpu.memory_space<vmem>>[vector<16xi32>, vector<16xi32>], vector<16xf32>,
        %broadcast_in_dim3A_404 = vector.broadcast %while3A_378 : i32 to vector<16xi32>
        tpu.vector_store_idx %arg10[%broadcast_in_dim3A_404, %add3A_401], %gather3A_403 : memref<128x128xf32, #tpu.memory_space<vmem>>[vector<16xi32>, vector<16xi32>], vector<16xf32>,
        %iota3A_405 = tpu.iota {dimensions = array<i32: 0>} : vector<16xi32>
        %broadcast_in_dim3A_406 = arith.constant 48 : i32
        %broadcast_in_dim3A_407 = vector.broadcast %broadcast_in_dim3A_406 : i32 to vector<16xi32>
        %add3A_408 = arith.addi %iota3A_405, %broadcast_in_dim3A_407 : vector<16xi32>
        %broadcast_in_dim3A_409 = vector.broadcast %min3A : i32 to vector<16xi32>
        %gather3A_410 = tpu.vector_load_idx %arg9[%add3A_408, %broadcast_in_dim3A_409] : memref<64x512xf32, #tpu.memory_space<vmem>>[vector<16xi32>, vector<16xi32>], vector<16xf32>,
        %broadcast_in_dim3A_411 = vector.broadcast %while3A_378 : i32 to vector<16xi32>
        tpu.vector_store_idx %arg10[%broadcast_in_dim3A_411, %add3A_408], %gather3A_410 : memref<128x128xf32, #tpu.memory_space<vmem>>[vector<16xi32>, vector<16xi32>], vector<16xf32>,
        %broadcast_in_dim3A_412 = vector.broadcast %while3A_378 : i32 to vector<16xi32>
        %broadcast_in_dim3A_413 = vector.broadcast %and3A_381 : i32 to vector<16xi32>
        %iota3A_414 = tpu.iota {dimensions = array<i32: 0>} : vector<16xi32>
        %eq3A_415 = arith.constant 0 : i32
        %eq3A_416 = vector.broadcast %eq3A_415 : i32 to vector<16xi32>
        %eq3A_417 = arith.cmpi eq, %iota3A_414, %eq3A_416 : vector<16xi32>
        tpu.vector_store_idx %arg11[%broadcast_in_dim3A_412], %broadcast_in_dim3A_413 masked %eq3A_417 : memref<128xi32, #tpu.memory_space<vmem>>[vector<16xi32>], vector<16xi32>, vector<16xi1>
        %add3A_418 = arith.constant 1 : i32
        %add3A_419 = arith.addi %while3A_378, %add3A_418 : i32
        %eq3A_420 = arith.constant 128 : i32
        %eq3A_421 = arith.cmpi eq, %add3A_419, %eq3A_420 : i32
        %convert_element_type3A_422 = arith.extui %eq3A_421 : i1 to i32
        %cond3A_423 = arith.constant 0 : i32
        %cond3A_424 = arith.cmpi ne, %convert_element_type3A_422, %cond3A_423 : i32
        scf.if %cond3A_424 {
          %dma_start3A_429 = arith.constant 0 : i32
          %dma_start3A_430 = arith.constant 0 : i32
          %dma_start3A_431 = tpu.memref_slice %arg4[%dma_start3A_429, %dma_start3A_430] : memref<16512x128xf32, #tpu.memory_space<hbm>> -> memref<16512x128xf32, #tpu.memory_space<hbm>>
          tpu.enqueue_indirect_dma source(%arg10 : memref<128x128xf32, #tpu.memory_space<vmem>>) target(%dma_start3A_431 : memref<16512x128xf32, #tpu.memory_space<hbm>>) offsets(%arg11 : memref<128xi32, #tpu.memory_space<vmem>>) semaphore(%arg17 : memref<!tpu.dma_semaphore, #tpu.memory_space<semaphore_mem>>)
          %dma_wait3A_432 = arith.constant 0 : i32
          %dma_wait3A_433 = arith.constant 0 : i32
          %dma_wait3A_434 = tpu.memref_slice %arg4[%dma_wait3A_432, %dma_wait3A_433] : memref<16512x128xf32, #tpu.memory_space<hbm>> -> memref<16512x128xf32, #tpu.memory_space<hbm>>
          tpu.wait_indirect_dma semaphore(%arg17 : memref<!tpu.dma_semaphore, #tpu.memory_space<semaphore_mem>>) src(%arg10 : memref<128x128xf32, #tpu.memory_space<vmem>>) dst(%dma_wait3A_434 : memref<16512x128xf32, #tpu.memory_space<hbm>>)
          %broadcast_in_dim3A_435 = arith.constant 16384 : i32
          %broadcast_in_dim3A_436 = vector.broadcast %broadcast_in_dim3A_435 : i32 to vector<16xi32>
          %swap3A_437 = arith.constant 0 : index
          %swap3A_438 = tpu.vector_load %arg11[%swap3A_437] {strides = array<i32>} : memref<128xi32, #tpu.memory_space<vmem>>, vector<16xi32>,
          tpu.vector_store %arg11[%swap3A_437], %broadcast_in_dim3A_436 {strides = array<i32>} : memref<128xi32, #tpu.memory_space<vmem>>, vector<16xi32>,
          %broadcast_in_dim3A_439 = arith.constant 16384 : i32
          %broadcast_in_dim3A_440 = vector.broadcast %broadcast_in_dim3A_439 : i32 to vector<16xi32>
          %swap3A_441 = arith.constant 16 : index
          %swap3A_442 = tpu.vector_load %arg11[%swap3A_441] {strides = array<i32>} : memref<128xi32, #tpu.memory_space<vmem>>, vector<16xi32>,
          tpu.vector_store %arg11[%swap3A_441], %broadcast_in_dim3A_440 {strides = array<i32>} : memref<128xi32, #tpu.memory_space<vmem>>, vector<16xi32>,
          %broadcast_in_dim3A_443 = arith.constant 16384 : i32
          %broadcast_in_dim3A_444 = vector.broadcast %broadcast_in_dim3A_443 : i32 to vector<16xi32>
          %swap3A_445 = arith.constant 32 : index
          %swap3A_446 = tpu.vector_load %arg11[%swap3A_445] {strides = array<i32>} : memref<128xi32, #tpu.memory_space<vmem>>, vector<16xi32>,
          tpu.vector_store %arg11[%swap3A_445], %broadcast_in_dim3A_444 {strides = array<i32>} : memref<128xi32, #tpu.memory_space<vmem>>, vector<16xi32>,
          %broadcast_in_dim3A_447 = arith.constant 16384 : i32
          %broadcast_in_dim3A_448 = vector.broadcast %broadcast_in_dim3A_447 : i32 to vector<16xi32>
          %swap3A_449 = arith.constant 48 : index
          %swap3A_450 = tpu.vector_load %arg11[%swap3A_449] {strides = array<i32>} : memref<128xi32, #tpu.memory_space<vmem>>, vector<16xi32>,
          tpu.vector_store %arg11[%swap3A_449], %broadcast_in_dim3A_448 {strides = array<i32>} : memref<128xi32, #tpu.memory_space<vmem>>, vector<16xi32>,
          %broadcast_in_dim3A_451 = arith.constant 16384 : i32
          %broadcast_in_dim3A_452 = vector.broadcast %broadcast_in_dim3A_451 : i32 to vector<16xi32>
          %swap3A_453 = arith.constant 64 : index
          %swap3A_454 = tpu.vector_load %arg11[%swap3A_453] {strides = array<i32>} : memref<128xi32, #tpu.memory_space<vmem>>, vector<16xi32>,
          tpu.vector_store %arg11[%swap3A_453], %broadcast_in_dim3A_452 {strides = array<i32>} : memref<128xi32, #tpu.memory_space<vmem>>, vector<16xi32>,
          %broadcast_in_dim3A_455 = arith.constant 16384 : i32
          %broadcast_in_dim3A_456 = vector.broadcast %broadcast_in_dim3A_455 : i32 to vector<16xi32>
          %swap3A_457 = arith.constant 80 : index
          %swap3A_458 = tpu.vector_load %arg11[%swap3A_457] {strides = array<i32>} : memref<128xi32, #tpu.memory_space<vmem>>, vector<16xi32>,
          tpu.vector_store %arg11[%swap3A_457], %broadcast_in_dim3A_456 {strides = array<i32>} : memref<128xi32, #tpu.memory_space<vmem>>, vector<16xi32>,
          %broadcast_in_dim3A_459 = arith.constant 16384 : i32
          %broadcast_in_dim3A_460 = vector.broadcast %broadcast_in_dim3A_459 : i32 to vector<16xi32>
          %swap3A_461 = arith.constant 96 : index
          %swap3A_462 = tpu.vector_load %arg11[%swap3A_461] {strides = array<i32>} : memref<128xi32, #tpu.memory_space<vmem>>, vector<16xi32>,
          tpu.vector_store %arg11[%swap3A_461], %broadcast_in_dim3A_460 {strides = array<i32>} : memref<128xi32, #tpu.memory_space<vmem>>, vector<16xi32>,
          %broadcast_in_dim3A_463 = arith.constant 16384 : i32
          %broadcast_in_dim3A_464 = vector.broadcast %broadcast_in_dim3A_463 : i32 to vector<16xi32>
          %swap3A_465 = arith.constant 112 : index
          %swap3A_466 = tpu.vector_load %arg11[%swap3A_465] {strides = array<i32>} : memref<128xi32, #tpu.memory_space<vmem>>, vector<16xi32>,
          tpu.vector_store %arg11[%swap3A_465], %broadcast_in_dim3A_464 {strides = array<i32>} : memref<128xi32, #tpu.memory_space<vmem>>, vector<16xi32>,
        } else {
        }
        %eq3A_425 = arith.constant 128 : i32
        %eq3A_426 = arith.cmpi eq, %add3A_419, %eq3A_425 : i32
        %jit3A_427 = arith.constant 0 : i32
        %select_n3A_428 = arith.select %eq3A_426, %jit3A_427, %add3A_419 : i32
        scf.yield %select_n3A_428 : i32
      }
      scf.yield %while3A_376 : i32
    }
    %scan3A_100 = arith.constant 31 : i32
    %dma_start3A_101 = arith.constant 0 : i32
    %dma_start3A_102 = arith.constant 0 : i32
    %dma_start3A_103 = tpu.memref_slice %arg8[%dma_start3A_101, %dma_start3A_102] : memref<64x512xf32, #tpu.memory_space<vmem>> -> memref<8x64xf32, #tpu.memory_space<vmem>>
    %dma_start3A_104 = arith.constant 0 : i32
    %dma_start3A_105 = arith.constant 999936 : i32
    %dma_start3A_106 = tpu.memref_slice %arg2[%dma_start3A_104, %dma_start3A_105] : memref<64x1000001xf32, #tpu.memory_space<hbm>> -> memref<8x64xf32, #tpu.memory_space<hbm>>
    %dma_start3A_107 = arith.constant 0 : i32
    %dma_start3A_108 = arith.constant 0 : i32
    %dma_start3A_109 = tpu.memref_slice %arg8[%dma_start3A_107, %dma_start3A_108] : memref<64x512xf32, #tpu.memory_space<vmem>> -> memref<8x64xf32, #tpu.memory_space<vmem>>
    %dma_start3A_110 = arith.constant 0 : i32
    %dma_start3A_111 = arith.constant 999936 : i32
    %dma_start3A_112 = tpu.memref_slice %arg2[%dma_start3A_110, %dma_start3A_111] : memref<64x1000001xf32, #tpu.memory_space<hbm>> -> memref<8x64xf32, #tpu.memory_space<hbm>>
    tpu.enqueue_dma source(%dma_start3A_112 : memref<8x64xf32, #tpu.memory_space<hbm>>) target(%dma_start3A_109 : memref<8x64xf32, #tpu.memory_space<vmem>>) target_semaphore(%arg15 : memref<!tpu.dma_semaphore, #tpu.memory_space<semaphore_mem>>)
    %dma_start3A_113 = arith.constant 8 : i32
    %dma_start3A_114 = arith.constant 0 : i32
    %dma_start3A_115 = tpu.memref_slice %arg8[%dma_start3A_113, %dma_start3A_114] : memref<64x512xf32, #tpu.memory_space<vmem>> -> memref<8x64xf32, #tpu.memory_space<vmem>>
    %dma_start3A_116 = arith.constant 8 : i32
    %dma_start3A_117 = arith.constant 999936 : i32
    %dma_start3A_118 = tpu.memref_slice %arg2[%dma_start3A_116, %dma_start3A_117] : memref<64x1000001xf32, #tpu.memory_space<hbm>> -> memref<8x64xf32, #tpu.memory_space<hbm>>
    %dma_start3A_119 = arith.constant 8 : i32
    %dma_start3A_120 = arith.constant 0 : i32
    %dma_start3A_121 = tpu.memref_slice %arg8[%dma_start3A_119, %dma_start3A_120] : memref<64x512xf32, #tpu.memory_space<vmem>> -> memref<8x64xf32, #tpu.memory_space<vmem>>
    %dma_start3A_122 = arith.constant 8 : i32
    %dma_start3A_123 = arith.constant 999936 : i32
    %dma_start3A_124 = tpu.memref_slice %arg2[%dma_start3A_122, %dma_start3A_123] : memref<64x1000001xf32, #tpu.memory_space<hbm>> -> memref<8x64xf32, #tpu.memory_space<hbm>>
    tpu.enqueue_dma source(%dma_start3A_124 : memref<8x64xf32, #tpu.memory_space<hbm>>) target(%dma_start3A_121 : memref<8x64xf32, #tpu.memory_space<vmem>>) target_semaphore(%arg15 : memref<!tpu.dma_semaphore, #tpu.memory_space<semaphore_mem>>)
    %dma_start3A_125 = arith.constant 16 : i32
    %dma_start3A_126 = arith.constant 0 : i32
    %dma_start3A_127 = tpu.memref_slice %arg8[%dma_start3A_125, %dma_start3A_126] : memref<64x512xf32, #tpu.memory_space<vmem>> -> memref<8x64xf32, #tpu.memory_space<vmem>>
    %dma_start3A_128 = arith.constant 16 : i32
    %dma_start3A_129 = arith.constant 999936 : i32
    %dma_start3A_130 = tpu.memref_slice %arg2[%dma_start3A_128, %dma_start3A_129] : memref<64x1000001xf32, #tpu.memory_space<hbm>> -> memref<8x64xf32, #tpu.memory_space<hbm>>
    %dma_start3A_131 = arith.constant 16 : i32
    %dma_start3A_132 = arith.constant 0 : i32
    %dma_start3A_133 = tpu.memref_slice %arg8[%dma_start3A_131, %dma_start3A_132] : memref<64x512xf32, #tpu.memory_space<vmem>> -> memref<8x64xf32, #tpu.memory_space<vmem>>
    %dma_start3A_134 = arith.constant 16 : i32
    %dma_start3A_135 = arith.constant 999936 : i32
    %dma_start3A_136 = tpu.memref_slice %arg2[%dma_start3A_134, %dma_start3A_135] : memref<64x1000001xf32, #tpu.memory_space<hbm>> -> memref<8x64xf32, #tpu.memory_space<hbm>>
    tpu.enqueue_dma source(%dma_start3A_136 : memref<8x64xf32, #tpu.memory_space<hbm>>) target(%dma_start3A_133 : memref<8x64xf32, #tpu.memory_space<vmem>>) target_semaphore(%arg15 : memref<!tpu.dma_semaphore, #tpu.memory_space<semaphore_mem>>)
    %dma_start3A_137 = arith.constant 24 : i32
    %dma_start3A_138 = arith.constant 0 : i32
    %dma_start3A_139 = tpu.memref_slice %arg8[%dma_start3A_137, %dma_start3A_138] : memref<64x512xf32, #tpu.memory_space<vmem>> -> memref<8x64xf32, #tpu.memory_space<vmem>>
    %dma_start3A_140 = arith.constant 24 : i32
    %dma_start3A_141 = arith.constant 999936 : i32
    %dma_start3A_142 = tpu.memref_slice %arg2[%dma_start3A_140, %dma_start3A_141] : memref<64x1000001xf32, #tpu.memory_space<hbm>> -> memref<8x64xf32, #tpu.memory_space<hbm>>
    %dma_start3A_143 = arith.constant 24 : i32
    %dma_start3A_144 = arith.constant 0 : i32
    %dma_start3A_145 = tpu.memref_slice %arg8[%dma_start3A_143, %dma_start3A_144] : memref<64x512xf32, #tpu.memory_space<vmem>> -> memref<8x64xf32, #tpu.memory_space<vmem>>
    %dma_start3A_146 = arith.constant 24 : i32
    %dma_start3A_147 = arith.constant 999936 : i32
    %dma_start3A_148 = tpu.memref_slice %arg2[%dma_start3A_146, %dma_start3A_147] : memref<64x1000001xf32, #tpu.memory_space<hbm>> -> memref<8x64xf32, #tpu.memory_space<hbm>>
    tpu.enqueue_dma source(%dma_start3A_148 : memref<8x64xf32, #tpu.memory_space<hbm>>) target(%dma_start3A_145 : memref<8x64xf32, #tpu.memory_space<vmem>>) target_semaphore(%arg15 : memref<!tpu.dma_semaphore, #tpu.memory_space<semaphore_mem>>)
    %dma_start3A_149 = arith.constant 32 : i32
    %dma_start3A_150 = arith.constant 0 : i32
    %dma_start3A_151 = tpu.memref_slice %arg8[%dma_start3A_149, %dma_start3A_150] : memref<64x512xf32, #tpu.memory_space<vmem>> -> memref<8x64xf32, #tpu.memory_space<vmem>>
    %dma_start3A_152 = arith.constant 32 : i32
    %dma_start3A_153 = arith.constant 999936 : i32
    %dma_start3A_154 = tpu.memref_slice %arg2[%dma_start3A_152, %dma_start3A_153] : memref<64x1000001xf32, #tpu.memory_space<hbm>> -> memref<8x64xf32, #tpu.memory_space<hbm>>
    %dma_start3A_155 = arith.constant 32 : i32
    %dma_start3A_156 = arith.constant 0 : i32
    %dma_start3A_157 = tpu.memref_slice %arg8[%dma_start3A_155, %dma_start3A_156] : memref<64x512xf32, #tpu.memory_space<vmem>> -> memref<8x64xf32, #tpu.memory_space<vmem>>
    %dma_start3A_158 = arith.constant 32 : i32
    %dma_start3A_159 = arith.constant 999936 : i32
    %dma_start3A_160 = tpu.memref_slice %arg2[%dma_start3A_158, %dma_start3A_159] : memref<64x1000001xf32, #tpu.memory_space<hbm>> -> memref<8x64xf32, #tpu.memory_space<hbm>>
    tpu.enqueue_dma source(%dma_start3A_160 : memref<8x64xf32, #tpu.memory_space<hbm>>) target(%dma_start3A_157 : memref<8x64xf32, #tpu.memory_space<vmem>>) target_semaphore(%arg15 : memref<!tpu.dma_semaphore, #tpu.memory_space<semaphore_mem>>)
    %dma_start3A_161 = arith.constant 40 : i32
    %dma_start3A_162 = arith.constant 0 : i32
    %dma_start3A_163 = tpu.memref_slice %arg8[%dma_start3A_161, %dma_start3A_162] : memref<64x512xf32, #tpu.memory_space<vmem>> -> memref<8x64xf32, #tpu.memory_space<vmem>>
    %dma_start3A_164 = arith.constant 40 : i32
    %dma_start3A_165 = arith.constant 999936 : i32
    %dma_start3A_166 = tpu.memref_slice %arg2[%dma_start3A_164, %dma_start3A_165] : memref<64x1000001xf32, #tpu.memory_space<hbm>> -> memref<8x64xf32, #tpu.memory_space<hbm>>
    %dma_start3A_167 = arith.constant 40 : i32
    %dma_start3A_168 = arith.constant 0 : i32
    %dma_start3A_169 = tpu.memref_slice %arg8[%dma_start3A_167, %dma_start3A_168] : memref<64x512xf32, #tpu.memory_space<vmem>> -> memref<8x64xf32, #tpu.memory_space<vmem>>
    %dma_start3A_170 = arith.constant 40 : i32
    %dma_start3A_171 = arith.constant 999936 : i32
    %dma_start3A_172 = tpu.memref_slice %arg2[%dma_start3A_170, %dma_start3A_171] : memref<64x1000001xf32, #tpu.memory_space<hbm>> -> memref<8x64xf32, #tpu.memory_space<hbm>>
    tpu.enqueue_dma source(%dma_start3A_172 : memref<8x64xf32, #tpu.memory_space<hbm>>) target(%dma_start3A_169 : memref<8x64xf32, #tpu.memory_space<vmem>>) target_semaphore(%arg15 : memref<!tpu.dma_semaphore, #tpu.memory_space<semaphore_mem>>)
    %dma_start3A_173 = arith.constant 48 : i32
    %dma_start3A_174 = arith.constant 0 : i32
    %dma_start3A_175 = tpu.memref_slice %arg8[%dma_start3A_173, %dma_start3A_174] : memref<64x512xf32, #tpu.memory_space<vmem>> -> memref<8x64xf32, #tpu.memory_space<vmem>>
    %dma_start3A_176 = arith.constant 48 : i32
    %dma_start3A_177 = arith.constant 999936 : i32
    %dma_start3A_178 = tpu.memref_slice %arg2[%dma_start3A_176, %dma_start3A_177] : memref<64x1000001xf32, #tpu.memory_space<hbm>> -> memref<8x64xf32, #tpu.memory_space<hbm>>
    %dma_start3A_179 = arith.constant 48 : i32
    %dma_start3A_180 = arith.constant 0 : i32
    %dma_start3A_181 = tpu.memref_slice %arg8[%dma_start3A_179, %dma_start3A_180] : memref<64x512xf32, #tpu.memory_space<vmem>> -> memref<8x64xf32, #tpu.memory_space<vmem>>
    %dma_start3A_182 = arith.constant 48 : i32
    %dma_start3A_183 = arith.constant 999936 : i32
    %dma_start3A_184 = tpu.memref_slice %arg2[%dma_start3A_182, %dma_start3A_183] : memref<64x1000001xf32, #tpu.memory_space<hbm>> -> memref<8x64xf32, #tpu.memory_space<hbm>>
    tpu.enqueue_dma source(%dma_start3A_184 : memref<8x64xf32, #tpu.memory_space<hbm>>) target(%dma_start3A_181 : memref<8x64xf32, #tpu.memory_space<vmem>>) target_semaphore(%arg15 : memref<!tpu.dma_semaphore, #tpu.memory_space<semaphore_mem>>)
    %dma_start3A_185 = arith.constant 56 : i32
    %dma_start3A_186 = arith.constant 0 : i32
    %dma_start3A_187 = tpu.memref_slice %arg8[%dma_start3A_185, %dma_start3A_186] : memref<64x512xf32, #tpu.memory_space<vmem>> -> memref<8x64xf32, #tpu.memory_space<vmem>>
    %dma_start3A_188 = arith.constant 56 : i32
    %dma_start3A_189 = arith.constant 999936 : i32
    %dma_start3A_190 = tpu.memref_slice %arg2[%dma_start3A_188, %dma_start3A_189] : memref<64x1000001xf32, #tpu.memory_space<hbm>> -> memref<8x64xf32, #tpu.memory_space<hbm>>
    %dma_start3A_191 = arith.constant 56 : i32
    %dma_start3A_192 = arith.constant 0 : i32
    %dma_start3A_193 = tpu.memref_slice %arg8[%dma_start3A_191, %dma_start3A_192] : memref<64x512xf32, #tpu.memory_space<vmem>> -> memref<8x64xf32, #tpu.memory_space<vmem>>
    %dma_start3A_194 = arith.constant 56 : i32
    %dma_start3A_195 = arith.constant 999936 : i32
    %dma_start3A_196 = tpu.memref_slice %arg2[%dma_start3A_194, %dma_start3A_195] : memref<64x1000001xf32, #tpu.memory_space<hbm>> -> memref<8x64xf32, #tpu.memory_space<hbm>>
    tpu.enqueue_dma source(%dma_start3A_196 : memref<8x64xf32, #tpu.memory_space<hbm>>) target(%dma_start3A_193 : memref<8x64xf32, #tpu.memory_space<vmem>>) target_semaphore(%arg15 : memref<!tpu.dma_semaphore, #tpu.memory_space<semaphore_mem>>)
    %dma_wait3A = arith.constant 0 : i32
    %dma_wait3A_197 = arith.constant 0 : i32
    %dma_wait3A_198 = tpu.memref_slice %arg8[%dma_wait3A, %dma_wait3A_197] : memref<64x512xf32, #tpu.memory_space<vmem>> -> memref<8x64xf32, #tpu.memory_space<vmem>>
    %dma_wait3A_199 = arith.constant 0 : i32
    %dma_wait3A_200 = arith.constant 999936 : i32
    %dma_wait3A_201 = tpu.memref_slice %arg2[%dma_wait3A_199, %dma_wait3A_200] : memref<64x1000001xf32, #tpu.memory_space<hbm>> -> memref<8x64xf32, #tpu.memory_space<hbm>>
    %dma_wait3A_202 = arith.constant 0 : i32
    %dma_wait3A_203 = arith.constant 0 : i32
    %dma_wait3A_204 = tpu.memref_slice %arg8[%dma_wait3A_202, %dma_wait3A_203] : memref<64x512xf32, #tpu.memory_space<vmem>> -> memref<8x64xf32, #tpu.memory_space<vmem>>
    %dma_wait3A_205 = arith.constant 0 : i32
    %dma_wait3A_206 = arith.constant 999936 : i32
    %dma_wait3A_207 = tpu.memref_slice %arg2[%dma_wait3A_205, %dma_wait3A_206] : memref<64x1000001xf32, #tpu.memory_space<hbm>> -> memref<8x64xf32, #tpu.memory_space<hbm>>
    tpu.wait_dma2 semaphore(%arg15 : memref<!tpu.dma_semaphore, #tpu.memory_space<semaphore_mem>>) src(%dma_wait3A_207 : memref<8x64xf32, #tpu.memory_space<hbm>>) dst(%dma_wait3A_204 : memref<8x64xf32, #tpu.memory_space<vmem>>)
    %dma_wait3A_208 = arith.constant 8 : i32
    %dma_wait3A_209 = arith.constant 0 : i32
    %dma_wait3A_210 = tpu.memref_slice %arg8[%dma_wait3A_208, %dma_wait3A_209] : memref<64x512xf32, #tpu.memory_space<vmem>> -> memref<8x64xf32, #tpu.memory_space<vmem>>
    %dma_wait3A_211 = arith.constant 8 : i32
    %dma_wait3A_212 = arith.constant 999936 : i32
    %dma_wait3A_213 = tpu.memref_slice %arg2[%dma_wait3A_211, %dma_wait3A_212] : memref<64x1000001xf32, #tpu.memory_space<hbm>> -> memref<8x64xf32, #tpu.memory_space<hbm>>
    %dma_wait3A_214 = arith.constant 8 : i32
    %dma_wait3A_215 = arith.constant 0 : i32
    %dma_wait3A_216 = tpu.memref_slice %arg8[%dma_wait3A_214, %dma_wait3A_215] : memref<64x512xf32, #tpu.memory_space<vmem>> -> memref<8x64xf32, #tpu.memory_space<vmem>>
    %dma_wait3A_217 = arith.constant 8 : i32
    %dma_wait3A_218 = arith.constant 999936 : i32
    %dma_wait3A_219 = tpu.memref_slice %arg2[%dma_wait3A_217, %dma_wait3A_218] : memref<64x1000001xf32, #tpu.memory_space<hbm>> -> memref<8x64xf32, #tpu.memory_space<hbm>>
    tpu.wait_dma2 semaphore(%arg15 : memref<!tpu.dma_semaphore, #tpu.memory_space<semaphore_mem>>) src(%dma_wait3A_219 : memref<8x64xf32, #tpu.memory_space<hbm>>) dst(%dma_wait3A_216 : memref<8x64xf32, #tpu.memory_space<vmem>>)
    %dma_wait3A_220 = arith.constant 16 : i32
    %dma_wait3A_221 = arith.constant 0 : i32
    %dma_wait3A_222 = tpu.memref_slice %arg8[%dma_wait3A_220, %dma_wait3A_221] : memref<64x512xf32, #tpu.memory_space<vmem>> -> memref<8x64xf32, #tpu.memory_space<vmem>>
    %dma_wait3A_223 = arith.constant 16 : i32
    %dma_wait3A_224 = arith.constant 999936 : i32
    %dma_wait3A_225 = tpu.memref_slice %arg2[%dma_wait3A_223, %dma_wait3A_224] : memref<64x1000001xf32, #tpu.memory_space<hbm>> -> memref<8x64xf32, #tpu.memory_space<hbm>>
    %dma_wait3A_226 = arith.constant 16 : i32
    %dma_wait3A_227 = arith.constant 0 : i32
    %dma_wait3A_228 = tpu.memref_slice %arg8[%dma_wait3A_226, %dma_wait3A_227] : memref<64x512xf32, #tpu.memory_space<vmem>> -> memref<8x64xf32, #tpu.memory_space<vmem>>
    %dma_wait3A_229 = arith.constant 16 : i32
    %dma_wait3A_230 = arith.constant 999936 : i32
    %dma_wait3A_231 = tpu.memref_slice %arg2[%dma_wait3A_229, %dma_wait3A_230] : memref<64x1000001xf32, #tpu.memory_space<hbm>> -> memref<8x64xf32, #tpu.memory_space<hbm>>
    tpu.wait_dma2 semaphore(%arg15 : memref<!tpu.dma_semaphore, #tpu.memory_space<semaphore_mem>>) src(%dma_wait3A_231 : memref<8x64xf32, #tpu.memory_space<hbm>>) dst(%dma_wait3A_228 : memref<8x64xf32, #tpu.memory_space<vmem>>)
    %dma_wait3A_232 = arith.constant 24 : i32
    %dma_wait3A_233 = arith.constant 0 : i32
    %dma_wait3A_234 = tpu.memref_slice %arg8[%dma_wait3A_232, %dma_wait3A_233] : memref<64x512xf32, #tpu.memory_space<vmem>> -> memref<8x64xf32, #tpu.memory_space<vmem>>
    %dma_wait3A_235 = arith.constant 24 : i32
    %dma_wait3A_236 = arith.constant 999936 : i32
    %dma_wait3A_237 = tpu.memref_slice %arg2[%dma_wait3A_235, %dma_wait3A_236] : memref<64x1000001xf32, #tpu.memory_space<hbm>> -> memref<8x64xf32, #tpu.memory_space<hbm>>
    %dma_wait3A_238 = arith.constant 24 : i32
    %dma_wait3A_239 = arith.constant 0 : i32
    %dma_wait3A_240 = tpu.memref_slice %arg8[%dma_wait3A_238, %dma_wait3A_239] : memref<64x512xf32, #tpu.memory_space<vmem>> -> memref<8x64xf32, #tpu.memory_space<vmem>>
    %dma_wait3A_241 = arith.constant 24 : i32
    %dma_wait3A_242 = arith.constant 999936 : i32
    %dma_wait3A_243 = tpu.memref_slice %arg2[%dma_wait3A_241, %dma_wait3A_242] : memref<64x1000001xf32, #tpu.memory_space<hbm>> -> memref<8x64xf32, #tpu.memory_space<hbm>>
    tpu.wait_dma2 semaphore(%arg15 : memref<!tpu.dma_semaphore, #tpu.memory_space<semaphore_mem>>) src(%dma_wait3A_243 : memref<8x64xf32, #tpu.memory_space<hbm>>) dst(%dma_wait3A_240 : memref<8x64xf32, #tpu.memory_space<vmem>>)
    %dma_wait3A_244 = arith.constant 32 : i32
    %dma_wait3A_245 = arith.constant 0 : i32
    %dma_wait3A_246 = tpu.memref_slice %arg8[%dma_wait3A_244, %dma_wait3A_245] : memref<64x512xf32, #tpu.memory_space<vmem>> -> memref<8x64xf32, #tpu.memory_space<vmem>>
    %dma_wait3A_247 = arith.constant 32 : i32
    %dma_wait3A_248 = arith.constant 999936 : i32
    %dma_wait3A_249 = tpu.memref_slice %arg2[%dma_wait3A_247, %dma_wait3A_248] : memref<64x1000001xf32, #tpu.memory_space<hbm>> -> memref<8x64xf32, #tpu.memory_space<hbm>>
    %dma_wait3A_250 = arith.constant 32 : i32
    %dma_wait3A_251 = arith.constant 0 : i32
    %dma_wait3A_252 = tpu.memref_slice %arg8[%dma_wait3A_250, %dma_wait3A_251] : memref<64x512xf32, #tpu.memory_space<vmem>> -> memref<8x64xf32, #tpu.memory_space<vmem>>
    %dma_wait3A_253 = arith.constant 32 : i32
    %dma_wait3A_254 = arith.constant 999936 : i32
    %dma_wait3A_255 = tpu.memref_slice %arg2[%dma_wait3A_253, %dma_wait3A_254] : memref<64x1000001xf32, #tpu.memory_space<hbm>> -> memref<8x64xf32, #tpu.memory_space<hbm>>
    tpu.wait_dma2 semaphore(%arg15 : memref<!tpu.dma_semaphore, #tpu.memory_space<semaphore_mem>>) src(%dma_wait3A_255 : memref<8x64xf32, #tpu.memory_space<hbm>>) dst(%dma_wait3A_252 : memref<8x64xf32, #tpu.memory_space<vmem>>)
    %dma_wait3A_256 = arith.constant 40 : i32
    %dma_wait3A_257 = arith.constant 0 : i32
    %dma_wait3A_258 = tpu.memref_slice %arg8[%dma_wait3A_256, %dma_wait3A_257] : memref<64x512xf32, #tpu.memory_space<vmem>> -> memref<8x64xf32, #tpu.memory_space<vmem>>
    %dma_wait3A_259 = arith.constant 40 : i32
    %dma_wait3A_260 = arith.constant 999936 : i32
    %dma_wait3A_261 = tpu.memref_slice %arg2[%dma_wait3A_259, %dma_wait3A_260] : memref<64x1000001xf32, #tpu.memory_space<hbm>> -> memref<8x64xf32, #tpu.memory_space<hbm>>
    %dma_wait3A_262 = arith.constant 40 : i32
    %dma_wait3A_263 = arith.constant 0 : i32
    %dma_wait3A_264 = tpu.memref_slice %arg8[%dma_wait3A_262, %dma_wait3A_263] : memref<64x512xf32, #tpu.memory_space<vmem>> -> memref<8x64xf32, #tpu.memory_space<vmem>>
    %dma_wait3A_265 = arith.constant 40 : i32
    %dma_wait3A_266 = arith.constant 999936 : i32
    %dma_wait3A_267 = tpu.memref_slice %arg2[%dma_wait3A_265, %dma_wait3A_266] : memref<64x1000001xf32, #tpu.memory_space<hbm>> -> memref<8x64xf32, #tpu.memory_space<hbm>>
    tpu.wait_dma2 semaphore(%arg15 : memref<!tpu.dma_semaphore, #tpu.memory_space<semaphore_mem>>) src(%dma_wait3A_267 : memref<8x64xf32, #tpu.memory_space<hbm>>) dst(%dma_wait3A_264 : memref<8x64xf32, #tpu.memory_space<vmem>>)
    %dma_wait3A_268 = arith.constant 48 : i32
    %dma_wait3A_269 = arith.constant 0 : i32
    %dma_wait3A_270 = tpu.memref_slice %arg8[%dma_wait3A_268, %dma_wait3A_269] : memref<64x512xf32, #tpu.memory_space<vmem>> -> memref<8x64xf32, #tpu.memory_space<vmem>>
    %dma_wait3A_271 = arith.constant 48 : i32
    %dma_wait3A_272 = arith.constant 999936 : i32
    %dma_wait3A_273 = tpu.memref_slice %arg2[%dma_wait3A_271, %dma_wait3A_272] : memref<64x1000001xf32, #tpu.memory_space<hbm>> -> memref<8x64xf32, #tpu.memory_space<hbm>>
    %dma_wait3A_274 = arith.constant 48 : i32
    %dma_wait3A_275 = arith.constant 0 : i32
    %dma_wait3A_276 = tpu.memref_slice %arg8[%dma_wait3A_274, %dma_wait3A_275] : memref<64x512xf32, #tpu.memory_space<vmem>> -> memref<8x64xf32, #tpu.memory_space<vmem>>
    %dma_wait3A_277 = arith.constant 48 : i32
    %dma_wait3A_278 = arith.constant 999936 : i32
    %dma_wait3A_279 = tpu.memref_slice %arg2[%dma_wait3A_277, %dma_wait3A_278] : memref<64x1000001xf32, #tpu.memory_space<hbm>> -> memref<8x64xf32, #tpu.memory_space<hbm>>
    tpu.wait_dma2 semaphore(%arg15 : memref<!tpu.dma_semaphore, #tpu.memory_space<semaphore_mem>>) src(%dma_wait3A_279 : memref<8x64xf32, #tpu.memory_space<hbm>>) dst(%dma_wait3A_276 : memref<8x64xf32, #tpu.memory_space<vmem>>)
    %dma_wait3A_280 = arith.constant 56 : i32
    %dma_wait3A_281 = arith.constant 0 : i32
    %dma_wait3A_282 = tpu.memref_slice %arg8[%dma_wait3A_280, %dma_wait3A_281] : memref<64x512xf32, #tpu.memory_space<vmem>> -> memref<8x64xf32, #tpu.memory_space<vmem>>
    %dma_wait3A_283 = arith.constant 56 : i32
    %dma_wait3A_284 = arith.constant 999936 : i32
    %dma_wait3A_285 = tpu.memref_slice %arg2[%dma_wait3A_283, %dma_wait3A_284] : memref<64x1000001xf32, #tpu.memory_space<hbm>> -> memref<8x64xf32, #tpu.memory_space<hbm>>
    %dma_wait3A_286 = arith.constant 56 : i32
    %dma_wait3A_287 = arith.constant 0 : i32
    %dma_wait3A_288 = tpu.memref_slice %arg8[%dma_wait3A_286, %dma_wait3A_287] : memref<64x512xf32, #tpu.memory_space<vmem>> -> memref<8x64xf32, #tpu.memory_space<vmem>>
    %dma_wait3A_289 = arith.constant 56 : i32
    %dma_wait3A_290 = arith.constant 999936 : i32
    %dma_wait3A_291 = tpu.memref_slice %arg2[%dma_wait3A_289, %dma_wait3A_290] : memref<64x1000001xf32, #tpu.memory_space<hbm>> -> memref<8x64xf32, #tpu.memory_space<hbm>>
    tpu.wait_dma2 semaphore(%arg15 : memref<!tpu.dma_semaphore, #tpu.memory_space<semaphore_mem>>) src(%dma_wait3A_291 : memref<8x64xf32, #tpu.memory_space<hbm>>) dst(%dma_wait3A_288 : memref<8x64xf32, #tpu.memory_space<vmem>>)
    %sub3A = arith.constant 999936 : i32
    %sub3A_292 = arith.subi %sub3A, %mul3A_2 : i32
    %get3A = arith.constant 62 : i32
    %get3A_293 = arith.index_cast %get3A : i32 to index
    %get3A_294 = memref.load %arg12[%get3A_293] : memref<64xi32, #tpu.memory_space<smem>>
    %get3A_295 = arith.constant 62 : i32
    %get3A_296 = arith.index_cast %get3A_295 : i32 to index
    %get3A_297 = memref.load %arg13[%get3A_296] : memref<64xi32, #tpu.memory_space<smem>>
    %add3A_298 = arith.addi %get3A_294, %get3A_297 : i32
    %while3A_299 = arith.subi %add3A_298, %get3A_294 : i32
    %while3A_300 = arith.addi %get3A_294, %while3A_299 : i32
    %while3A_301 = arith.constant 1 : i32
    %while3A_302 = arith.divsi %while3A_299, %while3A_301 : i32
    %while3A_303 = arith.muli %while3A_302, %while3A_301 : i32
    %while3A_304 = arith.addi %get3A_294, %while3A_303 : i32
    %while3A_305 = arith.constant 1 : i32
    %while3A_306 = scf.for %while3A_311 = %get3A_294 to %while3A_304 step %while3A_305 iter_args(%while3A_312 = %scan3A_99) -> (i32)  : i32 {
      %get3A_313 = arith.index_cast %while3A_311 : i32 to index
      %get3A_314 = tpu.vector_load %arg7[%get3A_313] {strides = array<i32>} : memref<16400xi32, #tpu.memory_space<vmem>>, vector<16xi32>,
      %slice3A = vector.extract_strided_slice %get3A_314 {offsets = [0], sizes = [1], strides = [1]} : vector<16xi32> to vector<1xi32>
      %squeeze3A = vector.extract %slice3A[0] : i32 from vector<1xi32>
      %and3A = arith.constant 16383 : i32
      %and3A_315 = arith.andi %squeeze3A, %and3A : i32
      %shift_right_logical3A = arith.constant 14 : i32
      %shift_right_logical3A_316 = arith.shrui %squeeze3A, %shift_right_logical3A : i32
      %sub3A_317 = arith.subi %shift_right_logical3A_316, %sub3A_292 : i32
      %jit3A_318 = arith.constant 0 : i32
      %jit3A_319 = arith.constant 511 : i32
      %max3A = arith.maxsi %jit3A_318, %sub3A_317 : i32
      %min3A = arith.minsi %jit3A_319, %max3A : i32
      %iota3A = tpu.iota {dimensions = array<i32: 0>} : vector<16xi32>
      %broadcast_in_dim3A_320 = arith.constant 0 : i32
      %broadcast_in_dim3A_321 = vector.broadcast %broadcast_in_dim3A_320 : i32 to vector<16xi32>
      %add3A_322 = arith.addi %iota3A, %broadcast_in_dim3A_321 : vector<16xi32>
      %broadcast_in_dim3A_323 = vector.broadcast %min3A : i32 to vector<16xi32>
      %gather3A = tpu.vector_load_idx %arg8[%add3A_322, %broadcast_in_dim3A_323] : memref<64x512xf32, #tpu.memory_space<vmem>>[vector<16xi32>, vector<16xi32>], vector<16xf32>,
      %broadcast_in_dim3A_324 = vector.broadcast %while3A_312 : i32 to vector<16xi32>
      tpu.vector_store_idx %arg10[%broadcast_in_dim3A_324, %add3A_322], %gather3A : memref<128x128xf32, #tpu.memory_space<vmem>>[vector<16xi32>, vector<16xi32>], vector<16xf32>,
      %iota3A_325 = tpu.iota {dimensions = array<i32: 0>} : vector<16xi32>
      %broadcast_in_dim3A_326 = arith.constant 16 : i32
      %broadcast_in_dim3A_327 = vector.broadcast %broadcast_in_dim3A_326 : i32 to vector<16xi32>
      %add3A_328 = arith.addi %iota3A_325, %broadcast_in_dim3A_327 : vector<16xi32>
      %broadcast_in_dim3A_329 = vector.broadcast %min3A : i32 to vector<16xi32>
      %gather3A_330 = tpu.vector_load_idx %arg8[%add3A_328, %broadcast_in_dim3A_329] : memref<64x512xf32, #tpu.memory_space<vmem>>[vector<16xi32>, vector<16xi32>], vector<16xf32>,
      %broadcast_in_dim3A_331 = vector.broadcast %while3A_312 : i32 to vector<16xi32>
      tpu.vector_store_idx %arg10[%broadcast_in_dim3A_331, %add3A_328], %gather3A_330 : memref<128x128xf32, #tpu.memory_space<vmem>>[vector<16xi32>, vector<16xi32>], vector<16xf32>,
      %iota3A_332 = tpu.iota {dimensions = array<i32: 0>} : vector<16xi32>
      %broadcast_in_dim3A_333 = arith.constant 32 : i32
      %broadcast_in_dim3A_334 = vector.broadcast %broadcast_in_dim3A_333 : i32 to vector<16xi32>
      %add3A_335 = arith.addi %iota3A_332, %broadcast_in_dim3A_334 : vector<16xi32>
      %broadcast_in_dim3A_336 = vector.broadcast %min3A : i32 to vector<16xi32>
      %gather3A_337 = tpu.vector_load_idx %arg8[%add3A_335, %broadcast_in_dim3A_336] : memref<64x512xf32, #tpu.memory_space<vmem>>[vector<16xi32>, vector<16xi32>], vector<16xf32>,
      %broadcast_in_dim3A_338 = vector.broadcast %while3A_312 : i32 to vector<16xi32>
      tpu.vector_store_idx %arg10[%broadcast_in_dim3A_338, %add3A_335], %gather3A_337 : memref<128x128xf32, #tpu.memory_space<vmem>>[vector<16xi32>, vector<16xi32>], vector<16xf32>,
      %iota3A_339 = tpu.iota {dimensions = array<i32: 0>} : vector<16xi32>
      %broadcast_in_dim3A_340 = arith.constant 48 : i32
      %broadcast_in_dim3A_341 = vector.broadcast %broadcast_in_dim3A_340 : i32 to vector<16xi32>
      %add3A_342 = arith.addi %iota3A_339, %broadcast_in_dim3A_341 : vector<16xi32>
      %broadcast_in_dim3A_343 = vector.broadcast %min3A : i32 to vector<16xi32>
      %gather3A_344 = tpu.vector_load_idx %arg8[%add3A_342, %broadcast_in_dim3A_343] : memref<64x512xf32, #tpu.memory_space<vmem>>[vector<16xi32>, vector<16xi32>], vector<16xf32>,
      %broadcast_in_dim3A_345 = vector.broadcast %while3A_312 : i32 to vector<16xi32>
      tpu.vector_store_idx %arg10[%broadcast_in_dim3A_345, %add3A_342], %gather3A_344 : memref<128x128xf32, #tpu.memory_space<vmem>>[vector<16xi32>, vector<16xi32>], vector<16xf32>,
      %broadcast_in_dim3A_346 = vector.broadcast %while3A_312 : i32 to vector<16xi32>
      %broadcast_in_dim3A_347 = vector.broadcast %and3A_315 : i32 to vector<16xi32>
      %iota3A_348 = tpu.iota {dimensions = array<i32: 0>} : vector<16xi32>
      %eq3A_349 = arith.constant 0 : i32
      %eq3A_350 = vector.broadcast %eq3A_349 : i32 to vector<16xi32>
      %eq3A_351 = arith.cmpi eq, %iota3A_348, %eq3A_350 : vector<16xi32>
      tpu.vector_store_idx %arg11[%broadcast_in_dim3A_346], %broadcast_in_dim3A_347 masked %eq3A_351 : memref<128xi32, #tpu.memory_space<vmem>>[vector<16xi32>], vector<16xi32>, vector<16xi1>
      %add3A_352 = arith.constant 1 : i32
      %add3A_353 = arith.addi %while3A_312, %add3A_352 : i32
      %eq3A_354 = arith.constant 128 : i32
      %eq3A_355 = arith.cmpi eq, %add3A_353, %eq3A_354 : i32
      %convert_element_type3A_356 = arith.extui %eq3A_355 : i1 to i32
      %cond3A_357 = arith.constant 0 : i32
      %cond3A_358 = arith.cmpi ne, %convert_element_type3A_356, %cond3A_357 : i32
      scf.if %cond3A_358 {
        %dma_start3A_363 = arith.constant 0 : i32
        %dma_start3A_364 = arith.constant 0 : i32
        %dma_start3A_365 = tpu.memref_slice %arg4[%dma_start3A_363, %dma_start3A_364] : memref<16512x128xf32, #tpu.memory_space<hbm>> -> memref<16512x128xf32, #tpu.memory_space<hbm>>
        tpu.enqueue_indirect_dma source(%arg10 : memref<128x128xf32, #tpu.memory_space<vmem>>) target(%dma_start3A_365 : memref<16512x128xf32, #tpu.memory_space<hbm>>) offsets(%arg11 : memref<128xi32, #tpu.memory_space<vmem>>) semaphore(%arg17 : memref<!tpu.dma_semaphore, #tpu.memory_space<semaphore_mem>>)
        %dma_wait3A_366 = arith.constant 0 : i32
        %dma_wait3A_367 = arith.constant 0 : i32
        %dma_wait3A_368 = tpu.memref_slice %arg4[%dma_wait3A_366, %dma_wait3A_367] : memref<16512x128xf32, #tpu.memory_space<hbm>> -> memref<16512x128xf32, #tpu.memory_space<hbm>>
        tpu.wait_indirect_dma semaphore(%arg17 : memref<!tpu.dma_semaphore, #tpu.memory_space<semaphore_mem>>) src(%arg10 : memref<128x128xf32, #tpu.memory_space<vmem>>) dst(%dma_wait3A_368 : memref<16512x128xf32, #tpu.memory_space<hbm>>)
        %broadcast_in_dim3A_369 = arith.constant 16384 : i32
        %broadcast_in_dim3A_370 = vector.broadcast %broadcast_in_dim3A_369 : i32 to vector<16xi32>
        %swap3A_371 = arith.constant 0 : index
        %swap3A_372 = tpu.vector_load %arg11[%swap3A_371] {strides = array<i32>} : memref<128xi32, #tpu.memory_space<vmem>>, vector<16xi32>,
        tpu.vector_store %arg11[%swap3A_371], %broadcast_in_dim3A_370 {strides = array<i32>} : memref<128xi32, #tpu.memory_space<vmem>>, vector<16xi32>,
        %broadcast_in_dim3A_373 = arith.constant 16384 : i32
        %broadcast_in_dim3A_374 = vector.broadcast %broadcast_in_dim3A_373 : i32 to vector<16xi32>
        %swap3A_375 = arith.constant 16 : index
        %swap3A_376 = tpu.vector_load %arg11[%swap3A_375] {strides = array<i32>} : memref<128xi32, #tpu.memory_space<vmem>>, vector<16xi32>,
        tpu.vector_store %arg11[%swap3A_375], %broadcast_in_dim3A_374 {strides = array<i32>} : memref<128xi32, #tpu.memory_space<vmem>>, vector<16xi32>,
        %broadcast_in_dim3A_377 = arith.constant 16384 : i32
        %broadcast_in_dim3A_378 = vector.broadcast %broadcast_in_dim3A_377 : i32 to vector<16xi32>
        %swap3A_379 = arith.constant 32 : index
        %swap3A_380 = tpu.vector_load %arg11[%swap3A_379] {strides = array<i32>} : memref<128xi32, #tpu.memory_space<vmem>>, vector<16xi32>,
        tpu.vector_store %arg11[%swap3A_379], %broadcast_in_dim3A_378 {strides = array<i32>} : memref<128xi32, #tpu.memory_space<vmem>>, vector<16xi32>,
        %broadcast_in_dim3A_381 = arith.constant 16384 : i32
        %broadcast_in_dim3A_382 = vector.broadcast %broadcast_in_dim3A_381 : i32 to vector<16xi32>
        %swap3A_383 = arith.constant 48 : index
        %swap3A_384 = tpu.vector_load %arg11[%swap3A_383] {strides = array<i32>} : memref<128xi32, #tpu.memory_space<vmem>>, vector<16xi32>,
        tpu.vector_store %arg11[%swap3A_383], %broadcast_in_dim3A_382 {strides = array<i32>} : memref<128xi32, #tpu.memory_space<vmem>>, vector<16xi32>,
        %broadcast_in_dim3A_385 = arith.constant 16384 : i32
        %broadcast_in_dim3A_386 = vector.broadcast %broadcast_in_dim3A_385 : i32 to vector<16xi32>
        %swap3A_387 = arith.constant 64 : index
        %swap3A_388 = tpu.vector_load %arg11[%swap3A_387] {strides = array<i32>} : memref<128xi32, #tpu.memory_space<vmem>>, vector<16xi32>,
        tpu.vector_store %arg11[%swap3A_387], %broadcast_in_dim3A_386 {strides = array<i32>} : memref<128xi32, #tpu.memory_space<vmem>>, vector<16xi32>,
        %broadcast_in_dim3A_389 = arith.constant 16384 : i32
        %broadcast_in_dim3A_390 = vector.broadcast %broadcast_in_dim3A_389 : i32 to vector<16xi32>
        %swap3A_391 = arith.constant 80 : index
        %swap3A_392 = tpu.vector_load %arg11[%swap3A_391] {strides = array<i32>} : memref<128xi32, #tpu.memory_space<vmem>>, vector<16xi32>,
        tpu.vector_store %arg11[%swap3A_391], %broadcast_in_dim3A_390 {strides = array<i32>} : memref<128xi32, #tpu.memory_space<vmem>>, vector<16xi32>,
        %broadcast_in_dim3A_393 = arith.constant 16384 : i32
        %broadcast_in_dim3A_394 = vector.broadcast %broadcast_in_dim3A_393 : i32 to vector<16xi32>
        %swap3A_395 = arith.constant 96 : index
        %swap3A_396 = tpu.vector_load %arg11[%swap3A_395] {strides = array<i32>} : memref<128xi32, #tpu.memory_space<vmem>>, vector<16xi32>,
        tpu.vector_store %arg11[%swap3A_395], %broadcast_in_dim3A_394 {strides = array<i32>} : memref<128xi32, #tpu.memory_space<vmem>>, vector<16xi32>,
        %broadcast_in_dim3A_397 = arith.constant 16384 : i32
        %broadcast_in_dim3A_398 = vector.broadcast %broadcast_in_dim3A_397 : i32 to vector<16xi32>
        %swap3A_399 = arith.constant 112 : index
        %swap3A_400 = tpu.vector_load %arg11[%swap3A_399] {strides = array<i32>} : memref<128xi32, #tpu.memory_space<vmem>>, vector<16xi32>,
        tpu.vector_store %arg11[%swap3A_399], %broadcast_in_dim3A_398 {strides = array<i32>} : memref<128xi32, #tpu.memory_space<vmem>>, vector<16xi32>,
      } else {
      }
      %eq3A_359 = arith.constant 128 : i32
      %eq3A_360 = arith.cmpi eq, %add3A_353, %eq3A_359 : i32
      %jit3A_361 = arith.constant 0 : i32
      %select_n3A_362 = arith.select %eq3A_360, %jit3A_361, %add3A_353 : i32
      scf.yield %select_n3A_362 : i32
    }
    %while3A_307 = arith.constant 1 : i32
    %while3A_308 = scf.for %while3A_311 = %while3A_304 to %while3A_300 step %while3A_307 iter_args(%while3A_312 = %while3A_306) -> (i32)  : i32 {
      %get3A_313 = arith.index_cast %while3A_311 : i32 to index
      %get3A_314 = tpu.vector_load %arg7[%get3A_313] {strides = array<i32>} : memref<16400xi32, #tpu.memory_space<vmem>>, vector<16xi32>,
      %slice3A = vector.extract_strided_slice %get3A_314 {offsets = [0], sizes = [1], strides = [1]} : vector<16xi32> to vector<1xi32>
      %squeeze3A = vector.extract %slice3A[0] : i32 from vector<1xi32>
      %and3A = arith.constant 16383 : i32
      %and3A_315 = arith.andi %squeeze3A, %and3A : i32
      %shift_right_logical3A = arith.constant 14 : i32
      %shift_right_logical3A_316 = arith.shrui %squeeze3A, %shift_right_logical3A : i32
      %sub3A_317 = arith.subi %shift_right_logical3A_316, %sub3A_292 : i32
      %jit3A_318 = arith.constant 0 : i32
      %jit3A_319 = arith.constant 511 : i32
      %max3A = arith.maxsi %jit3A_318, %sub3A_317 : i32
      %min3A = arith.minsi %jit3A_319, %max3A : i32
      %iota3A = tpu.iota {dimensions = array<i32: 0>} : vector<16xi32>
      %broadcast_in_dim3A_320 = arith.constant 0 : i32
      %broadcast_in_dim3A_321 = vector.broadcast %broadcast_in_dim3A_320 : i32 to vector<16xi32>
      %add3A_322 = arith.addi %iota3A, %broadcast_in_dim3A_321 : vector<16xi32>
      %broadcast_in_dim3A_323 = vector.broadcast %min3A : i32 to vector<16xi32>
      %gather3A = tpu.vector_load_idx %arg8[%add3A_322, %broadcast_in_dim3A_323] : memref<64x512xf32, #tpu.memory_space<vmem>>[vector<16xi32>, vector<16xi32>], vector<16xf32>,
      %broadcast_in_dim3A_324 = vector.broadcast %while3A_312 : i32 to vector<16xi32>
      tpu.vector_store_idx %arg10[%broadcast_in_dim3A_324, %add3A_322], %gather3A : memref<128x128xf32, #tpu.memory_space<vmem>>[vector<16xi32>, vector<16xi32>], vector<16xf32>,
      %iota3A_325 = tpu.iota {dimensions = array<i32: 0>} : vector<16xi32>
      %broadcast_in_dim3A_326 = arith.constant 16 : i32
      %broadcast_in_dim3A_327 = vector.broadcast %broadcast_in_dim3A_326 : i32 to vector<16xi32>
      %add3A_328 = arith.addi %iota3A_325, %broadcast_in_dim3A_327 : vector<16xi32>
      %broadcast_in_dim3A_329 = vector.broadcast %min3A : i32 to vector<16xi32>
      %gather3A_330 = tpu.vector_load_idx %arg8[%add3A_328, %broadcast_in_dim3A_329] : memref<64x512xf32, #tpu.memory_space<vmem>>[vector<16xi32>, vector<16xi32>], vector<16xf32>,
      %broadcast_in_dim3A_331 = vector.broadcast %while3A_312 : i32 to vector<16xi32>
      tpu.vector_store_idx %arg10[%broadcast_in_dim3A_331, %add3A_328], %gather3A_330 : memref<128x128xf32, #tpu.memory_space<vmem>>[vector<16xi32>, vector<16xi32>], vector<16xf32>,
      %iota3A_332 = tpu.iota {dimensions = array<i32: 0>} : vector<16xi32>
      %broadcast_in_dim3A_333 = arith.constant 32 : i32
      %broadcast_in_dim3A_334 = vector.broadcast %broadcast_in_dim3A_333 : i32 to vector<16xi32>
      %add3A_335 = arith.addi %iota3A_332, %broadcast_in_dim3A_334 : vector<16xi32>
      %broadcast_in_dim3A_336 = vector.broadcast %min3A : i32 to vector<16xi32>
      %gather3A_337 = tpu.vector_load_idx %arg8[%add3A_335, %broadcast_in_dim3A_336] : memref<64x512xf32, #tpu.memory_space<vmem>>[vector<16xi32>, vector<16xi32>], vector<16xf32>,
      %broadcast_in_dim3A_338 = vector.broadcast %while3A_312 : i32 to vector<16xi32>
      tpu.vector_store_idx %arg10[%broadcast_in_dim3A_338, %add3A_335], %gather3A_337 : memref<128x128xf32, #tpu.memory_space<vmem>>[vector<16xi32>, vector<16xi32>], vector<16xf32>,
      %iota3A_339 = tpu.iota {dimensions = array<i32: 0>} : vector<16xi32>
      %broadcast_in_dim3A_340 = arith.constant 48 : i32
      %broadcast_in_dim3A_341 = vector.broadcast %broadcast_in_dim3A_340 : i32 to vector<16xi32>
      %add3A_342 = arith.addi %iota3A_339, %broadcast_in_dim3A_341 : vector<16xi32>
      %broadcast_in_dim3A_343 = vector.broadcast %min3A : i32 to vector<16xi32>
      %gather3A_344 = tpu.vector_load_idx %arg8[%add3A_342, %broadcast_in_dim3A_343] : memref<64x512xf32, #tpu.memory_space<vmem>>[vector<16xi32>, vector<16xi32>], vector<16xf32>,
      %broadcast_in_dim3A_345 = vector.broadcast %while3A_312 : i32 to vector<16xi32>
      tpu.vector_store_idx %arg10[%broadcast_in_dim3A_345, %add3A_342], %gather3A_344 : memref<128x128xf32, #tpu.memory_space<vmem>>[vector<16xi32>, vector<16xi32>], vector<16xf32>,
      %broadcast_in_dim3A_346 = vector.broadcast %while3A_312 : i32 to vector<16xi32>
      %broadcast_in_dim3A_347 = vector.broadcast %and3A_315 : i32 to vector<16xi32>
      %iota3A_348 = tpu.iota {dimensions = array<i32: 0>} : vector<16xi32>
      %eq3A_349 = arith.constant 0 : i32
      %eq3A_350 = vector.broadcast %eq3A_349 : i32 to vector<16xi32>
      %eq3A_351 = arith.cmpi eq, %iota3A_348, %eq3A_350 : vector<16xi32>
      tpu.vector_store_idx %arg11[%broadcast_in_dim3A_346], %broadcast_in_dim3A_347 masked %eq3A_351 : memref<128xi32, #tpu.memory_space<vmem>>[vector<16xi32>], vector<16xi32>, vector<16xi1>
      %add3A_352 = arith.constant 1 : i32
      %add3A_353 = arith.addi %while3A_312, %add3A_352 : i32
      %eq3A_354 = arith.constant 128 : i32
      %eq3A_355 = arith.cmpi eq, %add3A_353, %eq3A_354 : i32
      %convert_element_type3A_356 = arith.extui %eq3A_355 : i1 to i32
      %cond3A_357 = arith.constant 0 : i32
      %cond3A_358 = arith.cmpi ne, %convert_element_type3A_356, %cond3A_357 : i32
      scf.if %cond3A_358 {
        %dma_start3A_363 = arith.constant 0 : i32
        %dma_start3A_364 = arith.constant 0 : i32
        %dma_start3A_365 = tpu.memref_slice %arg4[%dma_start3A_363, %dma_start3A_364] : memref<16512x128xf32, #tpu.memory_space<hbm>> -> memref<16512x128xf32, #tpu.memory_space<hbm>>
        tpu.enqueue_indirect_dma source(%arg10 : memref<128x128xf32, #tpu.memory_space<vmem>>) target(%dma_start3A_365 : memref<16512x128xf32, #tpu.memory_space<hbm>>) offsets(%arg11 : memref<128xi32, #tpu.memory_space<vmem>>) semaphore(%arg17 : memref<!tpu.dma_semaphore, #tpu.memory_space<semaphore_mem>>)
        %dma_wait3A_366 = arith.constant 0 : i32
        %dma_wait3A_367 = arith.constant 0 : i32
        %dma_wait3A_368 = tpu.memref_slice %arg4[%dma_wait3A_366, %dma_wait3A_367] : memref<16512x128xf32, #tpu.memory_space<hbm>> -> memref<16512x128xf32, #tpu.memory_space<hbm>>
        tpu.wait_indirect_dma semaphore(%arg17 : memref<!tpu.dma_semaphore, #tpu.memory_space<semaphore_mem>>) src(%arg10 : memref<128x128xf32, #tpu.memory_space<vmem>>) dst(%dma_wait3A_368 : memref<16512x128xf32, #tpu.memory_space<hbm>>)
        %broadcast_in_dim3A_369 = arith.constant 16384 : i32
        %broadcast_in_dim3A_370 = vector.broadcast %broadcast_in_dim3A_369 : i32 to vector<16xi32>
        %swap3A_371 = arith.constant 0 : index
        %swap3A_372 = tpu.vector_load %arg11[%swap3A_371] {strides = array<i32>} : memref<128xi32, #tpu.memory_space<vmem>>, vector<16xi32>,
        tpu.vector_store %arg11[%swap3A_371], %broadcast_in_dim3A_370 {strides = array<i32>} : memref<128xi32, #tpu.memory_space<vmem>>, vector<16xi32>,
        %broadcast_in_dim3A_373 = arith.constant 16384 : i32
        %broadcast_in_dim3A_374 = vector.broadcast %broadcast_in_dim3A_373 : i32 to vector<16xi32>
        %swap3A_375 = arith.constant 16 : index
        %swap3A_376 = tpu.vector_load %arg11[%swap3A_375] {strides = array<i32>} : memref<128xi32, #tpu.memory_space<vmem>>, vector<16xi32>,
        tpu.vector_store %arg11[%swap3A_375], %broadcast_in_dim3A_374 {strides = array<i32>} : memref<128xi32, #tpu.memory_space<vmem>>, vector<16xi32>,
        %broadcast_in_dim3A_377 = arith.constant 16384 : i32
        %broadcast_in_dim3A_378 = vector.broadcast %broadcast_in_dim3A_377 : i32 to vector<16xi32>
        %swap3A_379 = arith.constant 32 : index
        %swap3A_380 = tpu.vector_load %arg11[%swap3A_379] {strides = array<i32>} : memref<128xi32, #tpu.memory_space<vmem>>, vector<16xi32>,
        tpu.vector_store %arg11[%swap3A_379], %broadcast_in_dim3A_378 {strides = array<i32>} : memref<128xi32, #tpu.memory_space<vmem>>, vector<16xi32>,
        %broadcast_in_dim3A_381 = arith.constant 16384 : i32
        %broadcast_in_dim3A_382 = vector.broadcast %broadcast_in_dim3A_381 : i32 to vector<16xi32>
        %swap3A_383 = arith.constant 48 : index
        %swap3A_384 = tpu.vector_load %arg11[%swap3A_383] {strides = array<i32>} : memref<128xi32, #tpu.memory_space<vmem>>, vector<16xi32>,
        tpu.vector_store %arg11[%swap3A_383], %broadcast_in_dim3A_382 {strides = array<i32>} : memref<128xi32, #tpu.memory_space<vmem>>, vector<16xi32>,
        %broadcast_in_dim3A_385 = arith.constant 16384 : i32
        %broadcast_in_dim3A_386 = vector.broadcast %broadcast_in_dim3A_385 : i32 to vector<16xi32>
        %swap3A_387 = arith.constant 64 : index
        %swap3A_388 = tpu.vector_load %arg11[%swap3A_387] {strides = array<i32>} : memref<128xi32, #tpu.memory_space<vmem>>, vector<16xi32>,
        tpu.vector_store %arg11[%swap3A_387], %broadcast_in_dim3A_386 {strides = array<i32>} : memref<128xi32, #tpu.memory_space<vmem>>, vector<16xi32>,
        %broadcast_in_dim3A_389 = arith.constant 16384 : i32
        %broadcast_in_dim3A_390 = vector.broadcast %broadcast_in_dim3A_389 : i32 to vector<16xi32>
        %swap3A_391 = arith.constant 80 : index
        %swap3A_392 = tpu.vector_load %arg11[%swap3A_391] {strides = array<i32>} : memref<128xi32, #tpu.memory_space<vmem>>, vector<16xi32>,
        tpu.vector_store %arg11[%swap3A_391], %broadcast_in_dim3A_390 {strides = array<i32>} : memref<128xi32, #tpu.memory_space<vmem>>, vector<16xi32>,
        %broadcast_in_dim3A_393 = arith.constant 16384 : i32
        %broadcast_in_dim3A_394 = vector.broadcast %broadcast_in_dim3A_393 : i32 to vector<16xi32>
        %swap3A_395 = arith.constant 96 : index
        %swap3A_396 = tpu.vector_load %arg11[%swap3A_395] {strides = array<i32>} : memref<128xi32, #tpu.memory_space<vmem>>, vector<16xi32>,
        tpu.vector_store %arg11[%swap3A_395], %broadcast_in_dim3A_394 {strides = array<i32>} : memref<128xi32, #tpu.memory_space<vmem>>, vector<16xi32>,
        %broadcast_in_dim3A_397 = arith.constant 16384 : i32
        %broadcast_in_dim3A_398 = vector.broadcast %broadcast_in_dim3A_397 : i32 to vector<16xi32>
        %swap3A_399 = arith.constant 112 : index
        %swap3A_400 = tpu.vector_load %arg11[%swap3A_399] {strides = array<i32>} : memref<128xi32, #tpu.memory_space<vmem>>, vector<16xi32>,
        tpu.vector_store %arg11[%swap3A_399], %broadcast_in_dim3A_398 {strides = array<i32>} : memref<128xi32, #tpu.memory_space<vmem>>, vector<16xi32>,
      } else {
      }
      %eq3A_359 = arith.constant 128 : i32
      %eq3A_360 = arith.cmpi eq, %add3A_353, %eq3A_359 : i32
      %jit3A_361 = arith.constant 0 : i32
      %select_n3A_362 = arith.select %eq3A_360, %jit3A_361, %add3A_353 : i32
      scf.yield %select_n3A_362 : i32
    }
    %gt3A = arith.constant 0 : i32
    %gt3A_309 = arith.cmpi sgt, %while3A_308, %gt3A : i32
    %convert_element_type3A = arith.extui %gt3A_309 : i1 to i32
    %cond3A = arith.constant 0 : i32
    %cond3A_310 = arith.cmpi ne, %convert_element_type3A, %cond3A : i32
    scf.if %cond3A_310 {
      %dma_start3A_311 = arith.constant 0 : i32
      %dma_start3A_312 = arith.constant 0 : i32
      %dma_start3A_313 = tpu.memref_slice %arg4[%dma_start3A_311, %dma_start3A_312] : memref<16512x128xf32, #tpu.memory_space<hbm>> -> memref<16512x128xf32, #tpu.memory_space<hbm>>
      tpu.enqueue_indirect_dma source(%arg10 : memref<128x128xf32, #tpu.memory_space<vmem>>) target(%dma_start3A_313 : memref<16512x128xf32, #tpu.memory_space<hbm>>) offsets(%arg11 : memref<128xi32, #tpu.memory_space<vmem>>) semaphore(%arg17 : memref<!tpu.dma_semaphore, #tpu.memory_space<semaphore_mem>>)
      %dma_wait3A_314 = arith.constant 0 : i32
      %dma_wait3A_315 = arith.constant 0 : i32
      %dma_wait3A_316 = tpu.memref_slice %arg4[%dma_wait3A_314, %dma_wait3A_315] : memref<16512x128xf32, #tpu.memory_space<hbm>> -> memref<16512x128xf32, #tpu.memory_space<hbm>>
      tpu.wait_indirect_dma semaphore(%arg17 : memref<!tpu.dma_semaphore, #tpu.memory_space<semaphore_mem>>) src(%arg10 : memref<128x128xf32, #tpu.memory_space<vmem>>) dst(%dma_wait3A_316 : memref<16512x128xf32, #tpu.memory_space<hbm>>)
    } else {
    }
    return
  }
}

</mosaic_0001>

<sc_bundles>
// kernel: kernel.3.cloned.1.call-start
scs
__scs_entry_jumppad:
0x0: {  	(pc) =	sbr.rel $0x88, $3  }
0x1: {  	(tag) =	ssettag $0x0;
	lr =	simm.s32 $0x1  }
0x2: {  	[smem:$0x3F9F] =	sst lr;
	_ =	strace $0xD0000000  }
0x3: {  	_ = 	snop  }
0x4: {  	_ = 	snop  }
0x5: {  	_ = 	snop  }
0x6: {  	_ = 	snop  }
0x7: {  	_ = 	snop  }
__scs_overlays_trampoline_lowered:
0x8: {  	[smem:$0x3FAE] =	sst s0  }
0x9: {  	[smem:$0x3FAF] =	sst s1  }
0xa: {  	[smem:$0x3FB0] =	sst s2  }
0xb: {  	[smem:$0x3FB1] =	sst s3  }
0xc: {  	[smem:$0x3FB2] =	sst s4  }
0xd: {  	[smem:$0x3FB3] =	sst s5  }
0xe: {  	[smem:$0x3FB4] =	sst s6  }
0xf: {  	[smem:$0x3FB5] =	sst s7  }
0x10: {  	[smem:$0x3FB6] =	sst s8  }
0x11: {  	[smem:$0x3FB7] =	sst s9;
	s0 =	simm.s32 @!p0 $0x0  }
0x12: {  	s1 =	sld [smem:$0x3F9D];
	s0 =	simm.s32 @p0 $0x1  }
0x13: {  	[smem:$0x3FB8] =	sst s0;
	s0 =	simm.s32 @!p1 $0x0  }
0x14: {  	s2 =	sld [smem:$0x3F9C];
	s0 =	simm.s32 @p1 $0x1  }
0x15: {  	[smem:$0x3FB9] =	sst s0;
	s0 =	simm.s32 @!p2 $0x0  }
0x16: {  	s3 =	sld [smem:$0x3FDB];
	s0 =	simm.s32 @p2 $0x1  }
0x17: {  	s4 =	simm.s32 $0x1BF5;
	[smem:$0x3FBB] =	sst s0  }
0x18: {  	s0 =	sld [smem:$0x3F9E];
	_ =	swait.ge [sflag:s4], $0x0  }
0x19: {  	s7 =	sld [smem:$0x3F9F]  }
0x1a: {  	s8 =	sadd.s32 $0xFFFFE003, lr  }
0x1b: {  	s9 =	sadd.s32 $0xFFFFFEF7, lr;
	s5 =	simm.s32 $0xFFFFFFFF;
	p2 =	slt.u32 s8, $0xFFFFF086  }
0x1c: {  	p1 =	slt.u32 s9, $0xF7A;
	s5 =	simm.s32 @!p2 $0x0  }
0x1d: {  	s5 =	simm.s32 @p1 $0x1;
	p0 =	seq.s32 s7, s2  }
0x1e: {  	s7 =	smul.u32 @!p0 $0xF7A, s2;
	p2 =	seq.s32 @!p0 s5, $0x0  }
0x1f: {  	s9 =	smul.u32 $0xF7A, s1;
	s8 =	simm.s32 @!p0 $0x1BF5;
	p2 =	por !p2, p0  }
0x20: {  	[sflag:s8] =	ssyncset.s32 @!p0 $0xFFFFF086;
	s6 =	sadd.s32 @!p0 s3, s7;
	s7 =	simm.s32 @!p0 $0x108  }
0x21: {  	s3 =	sadd.s32 s3, s9;
	s6 =	sadd.s32 @!p0 $0x88, s6;
	s7 =	simm.s32 @p2 $0x1082  }
0x22: {  	[simem:s7], [sflag:s8] =	dma.local @!p0 [hbm:s6], $0xF7A  }
0x23: {  	s9 =	sor.u32 $0xD0000000, s2;
	s6 =	simm.s32 $0x108;
	_ =	swait.ge @!p0 [sflag:s8], $0x0  }
0x24: {  	s3 =	sadd.s32 $0x88, s3;
	s6 =	simm.s32 @!p1 $0x1082;
	[sflag:s4] =	ssyncset.s32 $0xFFFFF086  }
0x25: {  	[simem:s6], [sflag:s4] =	dma.local [hbm:s3], $0xF7A  }
0x26: {  	[smem:$0x3F9F] =	sst s1;
	(tag) =	ssettag s2;
	_ =	strace s9  }
0x27: {  	s1 =	sld [smem:$0x3FAF]  }
0x28: {  	s2 =	sld [smem:$0x3FB0]  }
0x29: {  	s4 =	sld [smem:$0x3FB2]  }
0x2a: {  	p0 =	seq.s32 s5, $0x0;
	s5 =	sld [smem:$0x3FB3]  }
0x2b: {  	s6 =	sld [smem:$0x3FB4]  }
0x2c: {  	s7 =	sld [smem:$0x3FB5]  }
0x2d: {  	s3 =	simm.s32 $0x108;
	s8 =	sld [smem:$0x3FB6]  }
0x2e: {  	s3 =	simm.s32 @!p0 $0x1082;
	s9 =	sld [smem:$0x3FB7]  }
0x2f: {  	lr =	sadd.s32 s0, s3;
	s0 =	sld [smem:$0x3FAE]  }
0x30: {  	s3 =	sld [smem:$0x3FB1]  }
0x31: {  	[smem:$0x3FBA] =	sst s10  }
0x32: {  	s10 =	sld [smem:$0x3FB8];
	_ =	sdelay $0x3  }
0x33: {  	p0 =	seq.s32 s10, $0x1;
	s10 =	sld [smem:$0x3FBA];
	_ =	sdelay $0x3  }
0x34: {  	[smem:$0x3FBA] =	sst s10  }
0x35: {  	s10 =	sld [smem:$0x3FB9];
	_ =	sdelay $0x3  }
0x36: {  	p1 =	seq.s32 s10, $0x1;
	s10 =	sld [smem:$0x3FBA];
	_ =	sdelay $0x3  }
0x37: {  	[smem:$0x3FBA] =	sst s10  }
0x38: {  	s10 =	sld [smem:$0x3FBB]  }
0x39: {  	_ = 	snop;
	(pc) =	sbr.ind lr, $3  }
0x3a: {  	_ = 	snop  }
0x3b: {  	_ = 	snop  }
0x3c: {  	p2 =	seq.s32 s10, $0x1;
	s10 =	sld [smem:$0x3FBA]  }
0x3d: {  	_ =	shalt  }
0x3e: {  	_ =	shalt  }
0x3f: {  	_ =	shalt  }
0x40: {  	_ =	shalt  }
0x41: {  	_ =	shalt  }
0x42: {  	_ =	shalt  }
0x43: {  	_ =	shalt  }
0x44: {  	_ =	shalt  }
0x45: {  	_ =	shalt  }
0x46: {  	_ =	shalt  }
0x47: {  	_ =	shalt  }
0x48: {  	_ =	shalt  }
0x49: {  	_ =	shalt  }
0x4a: {  	_ =	shalt  }
0x4b: {  	_ =	shalt  }
0x4c: {  	_ =	shalt  }
0x4d: {  	_ =	shalt  }
0x4e: {  	_ =	shalt  }
0x4f: {  	_ =	shalt  }
0x50: {  	_ =	shalt  }
0x51: {  	_ =	shalt  }
0x52: {  	_ =	shalt  }
0x53: {  	_ =	shalt  }
0x54: {  	_ =	shalt  }
0x55: {  	_ =	shalt  }
0x56: {  	_ =	shalt  }
0x57: {  	_ =	shalt  }
0x58: {  	_ =	shalt  }
0x59: {  	_ =	shalt  }
0x5a: {  	_ =	shalt  }
0x5b: {  	_ =	shalt  }
0x5c: {  	_ =	shalt  }
0x5d: {  	_ =	shalt  }
0x5e: {  	_ =	shalt  }
0x5f: {  	_ =	shalt  }
0x60: {  	_ =	shalt  }
0x61: {  	_ =	shalt  }
0x62: {  	_ =	shalt  }
0x63: {  	_ =	shalt  }
0x64: {  	_ =	shalt  }
0x65: {  	_ =	shalt  }
0x66: {  	_ =	shalt  }
0x67: {  	_ =	shalt  }
0x68: {  	_ =	shalt  }
0x69: {  	_ =	shalt  }
0x6a: {  	_ =	shalt  }
0x6b: {  	_ =	shalt  }
0x6c: {  	_ =	shalt  }
0x6d: {  	_ =	shalt  }
0x6e: {  	_ =	shalt  }
0x6f: {  	_ =	shalt  }
0x70: {  	_ =	shalt  }
0x71: {  	_ =	shalt  }
0x72: {  	_ =	shalt  }
0x73: {  	_ =	shalt  }
0x74: {  	_ =	shalt  }
0x75: {  	_ =	shalt  }
0x76: {  	_ =	shalt  }
0x77: {  	_ =	shalt  }
0x78: {  	_ =	shalt  }
0x79: {  	_ =	shalt  }
0x7a: {  	_ =	shalt  }
0x7b: {  	_ =	shalt  }
0x7c: {  	_ =	shalt  }
0x7d: {  	_ =	shalt  }
0x7e: {  	_ =	shalt  }
0x7f: {  	_ =	shalt  }
0x80: {  	_ =	shalt  }
0x81: {  	_ =	shalt  }
0x82: {  	_ =	shalt  }
0x83: {  	_ =	shalt  }
0x84: {  	_ =	shalt  }
0x85: {  	_ =	shalt  }
0x86: {  	_ =	shalt  }
0x87: {  	_ =	shalt  }
.Lfunc_end0:
.L_simem_size_0:
called_computation_lowered:
.L_overlay_start_0:
0x88: {  	s2 =	sld [smem:$0x3FD9]  }
0x89: {  	s3 =	sld [smem:$0x3FFE];
	_ =	sdelay $0x1  }
0x8a: {  	s1 =	srdreg.scid  }
0x8b: {  	s0 =	sand.u32 $0x1, s1  }
0x8c: {  	s17 =	sshll.u32 s0, $0xA;
	s2 =	sadd.s32 s3, s2  }
0x8d: {  	s2 =	sadd.s32 s2, s17  }
0x8e: {  	[smem:$0x3FC6] =	sst s2  }
0x8f: {  	_ = 	snop  }
0x90: {  	s2 =	sld [smem:$0x3FC9]  }
0x91: {  	s18 =	sld [smem:$0x3FC8];
	(tm) =	ssettm $0x1  }
0x92: {  	s4 =	sld [smem:$0x3FFB];
	_ =	sdelay $0x3  }
0x93: {  	_ =	strace s4  }
0x94: {  	s4 =	sld [smem:$0x3FFC];
	_ =	sdelay $0x3  }
0x95: {  	_ =	strace s4  }
0x96: {  	s4 =	sld [smem:$0x3FFD];
	_ =	sdelay $0x3  }
0x97: {  	_ =	strace s4  }
0x98: {  	_ =	strace $0x8FFFFFFF  }
0x99: {  	s19 =	sld [smem:$0x3FDB];
	_ =	sdelay $0x1  }
0x9a: {  	s5 =	simm.s32 $_scs_section_size  }
0x9b: {  	s6 =	simm.s32 $_size__tile_overlayer_lowered;
	s7 =	simm.s32 $_tile_overlayer_lowered  }
0x9c: {  	s22 =	simm.s32 $0x1BFF;
	s21 =	sshll.u32 s7, $0x1;
	s4 =	sadd.s32 s5, s19  }
0x9d: {  	s8 =	simm.s32 $0x0;
	s20 =	sshll.u32 s6, $0x1;
	s6 =	sadd.s32 s21, s4  }
0x9e: {  	[timem:s8], [sflag:s22] =	dma.local [hbm:s6], s20  }
0x9f: {  	_ =	swait.ge [sflag:s22], s20  }
0xa0: {  	s5 =	ssub.s32 $0x0, s20;
	[sflag:s22] =	ssyncset.done $0x0  }
0xa1: {  	[sflag:s22] =	ssyncadd.s32 s5;
	_ =	sdelay $0x1  }
0xa2: {  	s23 =	simm.s32 $0x1B8B  }
0xa3: {  	_ =	swait.ge [sflag:s23], $0x1  }
0xa4: {  	[sflag:s23] =	ssyncset.done $0x0  }
0xa5: {  	s25 =	simm.s32 $0x1B8E;
	s24 =	sld [smem:$0x3FFE];
	[sflag:s23] =	ssyncadd.s32 $0xFFFFFFFF  }
0xa6: {  	s26 =	simm.s32 $execute0_lowered;
	[smem:$0x3FD2] =	sst s25  }
0xa7: {  	s6 =	sshll.u32 s26, $0x1;
	_ =	strace $0x80000046;
	[dreg:$0x1] =	wrdreg $0xFFFFFFFF  }
0xa8: {  	s28 =	simm.s32 $_size_execute0_lowered;
	s4 =	sadd.s32 s4, s6;
	[dreg:$0x0] =	wrdreg $0x0  }
0xa9: {  	s6 =	sshll.u32 s28, $0x1;
	[dreg:$0x2] =	wrdreg s4  }
0xaa: {  	[dreg:$0x3] =	wrdreg s6  }
0xab: {  	[dreg:$0x4] =	wrdreg $0xC0  }
0xac: {  	_ =	task [dreg:s8], $0x5FFFF  }
0xad: {  	[dreg:$0x1] =	wrdreg $0xFFFFFFFF  }
0xae: {  	[dreg:$0x0] =	wrdreg $0x60  }
0xaf: {  	[dreg:$0x2] =	wrdreg s18  }
0xb0: {  	[dreg:$0x3] =	wrdreg s2  }
0xb1: {  	[dreg:$0x4] =	wrdreg s24  }
0xb2: {  	[dreg:$0x5] =	wrdreg $0x9  }
0xb3: {  	_ =	task.clear_ibuf [dreg:s8], $0x6FFFF;
	_ =	strace $0x90000046  }
0xb4: {  	s29 =	simm.s32 $0x9;
	_ =	strace $0x80000048  }
0xb5: {  	_ =	swait.ge [sflag:s29], $0x1  }
0xb6: {  	[sflag:s29] =	ssyncadd.s32 $0xFFFFFFFF  }
0xb7: {  	_ =	strace $0x90000048  }
0xb8: {  	_ =	sfence  }
0xb9: {  	s30 =	sld [smem:$0x0];
	_ =	sdelay $0x2  }
0xba: {  	s31 =	sshll.u32 s1, $0xD;
	s1 =	sshrl.u32 s1, $0x2  }
0xbb: {  	s3 =	sand.u32 $0x4000, s31;
	s1 =	sadd.s32 s1, s30  }
0xbc: {  	s0 =	sor.u32 s3, s0;
	s1 =	sshll.u32 s1, $0x11  }
0xbd: {  	s0 =	sor.u32 s1, s0  }
0xbe: {  	s0 =	sadd.s32 $0x8F2B, s0  }
0xbf: {  	[sflag:s0] =	ssyncadd.remote.s32 $0x1  }
0xc0: {  	_ =	sfence.sel $0xFFFF  }
0xc1: {  	[dreg:$0x0] =	wrdreg $0xFFFFFFFF;
	(pc) =	sbr.abs _section_cstart, $3  }
0xc2: {  	[dreg:$0x1] =	wrdreg $0xFFFFFFFF  }
0xc3: {  	_ =	task.clear_ibuf [dreg:s8], $0x2FFFF;
	_ =	strace $0x9FFFFFFF  }
0xc4: {  	(tm) =	ssettm $0x7FFFFFFF  }
0xc5: {  	_ =	shalt  }
tec
execute0_lowered:
.L_overlay_start_1:
0x0: {  	(tag) =	ssettag $0x1  }
0x1: {  	v0 =	vimm.s32 $0x1380;
	vm14 =	vcmask $0x300;
	vm13 =	vcmask $0x704  }
0x2: {  	vm12 =	vcmask $0xB08;
	vm11 =	vcmask $0xF0C;
	vm10 =	vcmask $0x1310  }
0x3: {  	vm9 =	vcmask $0x1714;
	vm8 =	vcmask $0x1B18;
	vm7 =	vcmask $0x1F1C  }
0x4: {  	vm6 =	vcmask $0x2320;
	vm5 =	vcmask $0x2724;
	vm0 =	vcmask $0x2B28  }
0x5: {  	vm1 =	vcmask $0x2F2C;
	vm2 =	vcmask $0x3330;
	vm3 =	vcmask $0x3734  }
0x6: {  	vm4 =	vcmask $0x3B38;
	v6 =	vimm.s32 $0x3380;
	v7 =	vimm.s32 $0x5380  }
0x7: {  	v8 =	vimm.s32 $0x7380;
	v0 =	vsel vm14, $0x0, v0;
	v6 =	vsel vm14, $0x2000, v6  }
0x8: {  	v7 =	vsel vm14, $0x4000, v7;
	v8 =	vsel vm14, $0x6000, v8;
	v0 =	vsel vm13, $0x80, v0  }
0x9: {  	v6 =	vsel vm13, $0x2080, v6;
	v7 =	vsel vm13, $0x4080, v7;
	v8 =	vsel vm13, $0x6080, v8  }
0xa: {  	v0 =	vsel vm12, $0x100, v0;
	v6 =	vsel vm12, $0x2100, v6;
	v7 =	vsel vm12, $0x4100, v7  }
0xb: {  	s1 =	srdreg.scid;
	s3 =	stileid.u32;
	v8 =	vsel vm12, $0x6100, v8;
	v0 =	vsel vm11, $0x180, v0;
	v6 =	vsel vm11, $0x2180, v6  }
0xc: {  	s1 =	sand.u32 $0x1, s1;
	s5 =	sshll.u32 s3, $0x1;
	v7 =	vsel vm11, $0x4180, v7;
	v8 =	vsel vm11, $0x6180, v8;
	v0 =	vsel vm10, $0x200, v0  }
0xd: {  	s6 =	sor.u32 s1, s5;
	v6 =	vsel vm10, $0x2200, v6;
	v7 =	vsel vm10, $0x4200, v7;
	v8 =	vsel vm10, $0x6200, v8  }
0xe: {  	s7 =	smul.u32 $0x7A00, s6;
	v0 =	vsel vm9, $0x280, v0;
	v6 =	vsel vm9, $0x2280, v6;
	v7 =	vsel vm9, $0x4280, v7  }
0xf: {  	v8 =	vsel vm9, $0x6280, v8;
	v0 =	vsel vm8, $0x300, v0;
	v6 =	vsel vm8, $0x2300, v6  }
0x10: {  	s0 =	rddreg [dreg:$0x0];
	p0 =	seq.s32 s6, $0x1F;
	s8 =	sadd.s32 $0x7A00, s7;
	v7 =	vsel vm8, $0x4300, v7;
	v8 =	vsel vm8, $0x6300, v8;
	v1 =	vsel vm7, $0x380, v0  }
0x11: {  	s2 =	rddreg [dreg:$0x1];
	s17 =	simm.s32 $0x1000;
	s8 =	simm.s32 @p0 $0xF4240;
	v0 =	vmov s7;
	v6 =	vsel vm7, $0x2380, v6;
	v7 =	vsel vm7, $0x4380, v7  }
0x12: {  	s18 =	simm.s32 $0x7A1400;
	s19 =	simm.s32 $0x9100;
	s21 =	simm.s32 $0x5080;
	v8 =	vsel vm7, $0x6380, v8;
	v2 =	vsel vm6, $0x1000, v1;
	v1 =	vmov s8  }
0x13: {  	s4 =	rddreg [dreg:$0x2];
	s22 =	simm.s32 $0x11100;
	s10 =	sadd.s32 $0x1E8480, s0;
	v6 =	vsel vm6, $0x3000, v6;
	v7 =	vsel vm6, $0x5000, v7;
	v8 =	vsel vm6, $0x7000, v8  }
0x14: {  	s20 =	simm.s32 $0x4;
	s24 =	simm.s32 $0x19100;
	s28 =	sadd.s32 $0x2DC700, s0;
	v3 =	vsel vm5, $0x1080, v2;
	v2 =	vimm.s32 $0x4000;
	v6 =	vsel vm5, $0x3080, v6  }
0x15: {  	s23 =	simm.s32 $0x1;
	s25 =	simm.s32 $0x1D100;
	s29 =	sadd.s32 $0x3D0980, s0;
	v7 =	vsel vm5, $0x5080, v7;
	v8 =	vsel vm5, $0x7080, v8;
	v4 =	vsel vm0, $0x1100, v3  }
0x16: {  	s3 =	simm.s32 $0x0;
	s30 =	sadd.s32 $0x4C4C00, s0;
	s11 =	sadd.s32 $0x5B8E80, s0;
	v3 =	vlaneseq.u32;
	v6 =	vsel vm0, $0x3100, v6;
	v7 =	vsel vm0, $0x5100, v7  }
0x17: {  	s26 =	simm.s32 $0x2;
	s12 =	sadd.s32 $0x6AD100, s0;
	[smem:$0x7FF] =	sst s3;
	v8 =	vsel vm0, $0x7100, v8;
	v5 =	vsel vm1, $0x1180, v4;
	v4 =	vimm.s32 $0x0  }
0x18: {  	s4 =	sadd.s32 $0x400, s4;
	_ =	strace $0x80000047;
	[dreg:$0x4] =	wrdreg s10;
	v6 =	vsel vm1, $0x3180, v6;
	v7 =	vsel vm1, $0x5180, v7;
	v8 =	vsel vm1, $0x7180, v8  }
.Ltmp0:
0x19: {  	s1 =	ssub.s32 $0x2, s1;
	[dreg:$0x5] =	wrdreg s28;
	v11 =	vor.u32 $0x30, v3;
	v5 =	vsel vm2, $0x1200, v5;
	v6 =	vsel vm2, $0x3200, v6;
	(pc) =	sbr.rel .LBB2_1-.Ltmp0, $4  }
0x1a: {  	s13 =	sadd.s32 $0xF4200, s0;
	s9 =	sshrl.u32 s1, $0x1;
	[dreg:$0x6] =	wrdreg s29;
	v7 =	vsel vm2, $0x5200, v7;
	v10 =	vsel vm2, $0x7200, v8;
	v5 =	vsel vm3, $0x1280, v5  }
0x1b: {  	s14 =	sadd.s32 $0x7A1380, s0;
	[dreg:$0x7] =	wrdreg s30;
	s1 =	ssub.s32 s1, s9;
	v6 =	vsel vm3, $0x3280, v6;
	v9 =	vsel vm3, $0x5280, v7;
	v7 =	vor.u32 $0x10, v3  }
0x1c: {  	s5 =	sadd.s32 s0, s7;
	s15 =	sadd.s32 $0xFFF0BE00, s7;
	s31 =	smax.u32 s1, $0x1;
	v10 =	vsel vm3, $0x7280, v10;
	v5 =	vsel vm4, $0x1300, v5;
	v6 =	vsel vm4, $0x3300, v6  }
0x1d: {  	s6 =	sadd.s32 $0x400, s5;
	[dreg:$0x8] =	wrdreg s31;
	s8 =	simm.s32 $0x0;
	v8 =	vsel vm4, $0x5300, v9;
	v9 =	vor.u32 $0x20, v3;
	v10 =	vsel vm4, $0x7300, v10  }
.LBB2_36:
0x1e: {  	s8 =	rddreg [dreg:$0x9]  }
.LBB2_40:
0x1f: {  	p0 =	slt.s32 s1, $0x1  }
0x20: {  	s0 =	simm.s32 @!p0 $0x80;
	s1 =	simm.s32 @!p0 $0x1D100;
	s7 =	simm.s32 @!p0 $0x19100  }
0x21: {  	[hbm4b:s4+s0] =	stream.indirect.scatter @!p0 [tilespmem:s7], [sflag:$0x3], $0x80, s1, s0, $0xb8;
	[tilespmem:$0x1D180] =	vst v63  }
0x22: {  	s0 =	simm.s32 @!p0 $0x3  }
0x23: {  	_ =	swait.ge @!p0 [sflag:s0], $0x4000  }
0x24: {  	s8 =	sadd.s32 $0x1, s8;
	s31 =	rddreg [dreg:$0x8]  }
0x25: {  	p1 =	sne.s32 s8, s31  }
.Ltmp1:
0x26: {  	_ = 	snop;
	(pc) =	sbr.rel @!p1 .LBB2_41-.Ltmp1, $3  }
0x27: {  	_ =	sdelay $0x1  }
0x28: {  	[sflag:s0] =	ssyncset.done @!p0 $0x0  }
0x29: {  	[sflag:s0] =	ssyncadd.s32 @!p0 $0xFFFFC000  }
.LBB2_1:
0x2a: {  	[tilespmem:s19], [sflag:$0x1] =	stream.strided.gather [hbm4b:s5+s17], $0x8000, s18, s17, $0x38;
	[tilespmem:$0x1D180] =	vst v63  }
0x2b: {  	[tilespmem:$0x1D100] =	vst v2  }
0x2c: {  	[tilespmem:$0x1D110] =	vst v2  }
0x2d: {  	[tilespmem:$0x1D120] =	vst v2  }
0x2e: {  	[tilespmem:$0x1D130] =	vst v2  }
0x2f: {  	[tilespmem:$0x1D140] =	vst v2  }
0x30: {  	[tilespmem:$0x1D150] =	vst v2  }
0x31: {  	[dreg:$0x9] =	wrdreg s8;
	[tilespmem:$0x1D160] =	vst v2  }
0x32: {  	s0 =	simm.s32 $0x4;
	s7 =	simm.s32 $0x0;
	s1 =	simm.s32 $0x0;
	[tilespmem:$0x1D170] =	vst v2  }
.LBB2_2:
0x33: {  	p0 =	seq.s32 s0, $0xFC  }
0x34: {  	[smem:s7+$0x80] =	sst s1;
	s1 =	smov.u32 s0;
	s0 =	sadd.s32 $0x4, s0  }
.Ltmp2:
0x35: {  	(pc) =	sbr.rel @!p0 .LBB2_2-.Ltmp2, $2  }
0x36: {  	_ =	sdelay $0x2  }
0x37: {  	s7 =	sshra.s32 s1, $0x2;
	s1 =	simm.s32 $0x0  }
0x38: {  	[smem:s7+$0x80] =	sst s1  }
0x39: {  	s16 =	simm.s32 $0x0;
	s0 =	simm.s32 $0x0;
	s28 =	simm.s32 $0x0  }
.LBB2_4:
0x3a: {  	s7 =	sshll.u32 s28, $0x9  }
0x3b: {  	s7 =	sadd.s32 s2, s7  }
0x3c: {  	[tilespmem:s1], [sflag:$0x4] =	stream.linear.gather [hbm4b:s7+s1], $0x1000, $0x38;
	[tilespmem:$0x1D180] =	vst v63  }
0x3d: {  	_ =	swait.ge [sflag:s20], $0x1000  }
0x3e: {  	[sflag:s20] =	ssyncset.done $0x0  }
0x3f: {  	s31 =	simm.s32 $0x0;
	[sflag:s20] =	ssyncadd.s32 $0xFFFFF000  }
0x40: {  	v12 =	vld [tilespmem:s31+$0x0];
	_ =	sdelay $0x4  }
0x41: {  	vm0 =	vge.s32 v12, v0;
	vm1 =	vlt.s32 v12, v1  }
0x42: {  	vm0 =	vmand vm0, vm1  }
0x43: {  	v13 =	vsel vm0, $0x1, v4  }
0x44: {  	(xrf0) =	vadd.scan.msk.s32 $0xffff, v13;
	_ =	sdelay $0x2  }
0x45: {  	v63 =	vmov s0  }
0x46: {  	v13 =	vadd.s32 $0xFFFFFFFF, v63  }
0x47: {  	v13 =	vbroadcast v13, $0x0  }
0x48: {  	v14, _, _ =	vpop (xrf0)  }
0x49: {  	v13 =	vadd.s32 v14, v13;
	(v2sf) =	vpush v14, $0xF  }
0x4a: {  	vm15 =	vgt.s32 v13, $0x0  }
0x4b: {  	v13 =	vnsel vm15, $0x0, v13  }
0x4c: {  	v12 =	vsub.s32 v12, v0  }
0x4d: {  	v12 =	vshll.u32 v12, $0xE  }
0x4e: {  	v12 =	vadd.s32 s16, v12  }
0x4f: {  	v12 =	vadd.s32 v3, v12  }
0x50: {  	s30 =	simm.s32 $0x80;
	s29 =	smov.u32 s16;
	s7 =	simm.s32 $0x10;
	[tilespmem:v13+s17+$0x0] =	vst.idx.msk vm0, v12  }
.LBB2_5:
0x51: {  	p0 =	sne.s32 s30, $0x3FC0;
	v12 =	vld [tilespmem:s7+$0x0];
	_ =	sdelay $0x4  }
0x52: {  	vm0 =	vge.s32 v12, v0;
	vm1 =	vlt.s32 v12, v1;
	v12 =	vsub.s32 v12, v0  }
0x53: {  	vm0 =	vmand vm0, vm1  }
0x54: {  	v13 =	vsel vm0, $0x1, v4;
	s7 =	spop (v2sf)  }
0x55: {  	(xrf0) =	vadd.scan.msk.s32 $0xffff, v13;
	s0 =	sadd.s32 s0, s7  }
0x56: {  	v13 =	vmov s0  }
0x57: {  	v13 =	vadd.s32 $0xFFFFFFFF, v13  }
0x58: {  	v13 =	vbroadcast v13, $0x0;
	_ =	sdelay $0x2  }
0x59: {  	v14, _, _ =	vpop (xrf0)  }
0x5a: {  	v13 =	vadd.s32 v14, v13;
	(v2sf) =	vpush v14, $0xF  }
0x5b: {  	vm1 =	vgt.s32 v13, $0x0  }
0x5c: {  	v13 =	vnsel vm1, $0x0, v13  }
.Ltmp3:
0x5d: {  	(pc) =	sbr.rel @p0 .LBB2_5-.Ltmp3, $4  }
0x5e: {  	s29 =	sadd.s32 $0x10, s29;
	v12 =	vshll.u32 v12, $0xE  }
0x5f: {  	v12 =	vadd.s32 s29, v12  }
0x60: {  	v12 =	vadd.s32 v3, v12  }
0x61: {  	s7 =	sshra.s32 s30, $0x2;
	s30 =	sadd.s32 $0x40, s30;
	[tilespmem:v13+s17+$0x0] =	vst.idx.msk vm0, v12  }
0x62: {  	v12 =	vld [tilespmem:s7+$0x0];
	_ =	sdelay $0x4  }
0x63: {  	vm0 =	vge.s32 v12, v0;
	vm1 =	vlt.s32 v12, v1  }
0x64: {  	vm0 =	vmand vm0, vm1  }
0x65: {  	v13 =	vsel vm0, $0x1, v4  }
0x66: {  	(xrf0) =	vadd.scan.msk.s32 $0xffff, v13;
	_ =	sdelay $0x5  }
0x67: {  	v13, _, _ =	vpop (xrf0)  }
0x68: {  	(v2sf) =	vpush v13, $0xF;
	_ =	sdelay $0x2  }
0x69: {  	s30 =	spop (v2sf)  }
0x6a: {  	s7 =	sadd.s32 s0, s30  }
0x6b: {  	v14 =	vmov s7  }
0x6c: {  	v14 =	vadd.s32 $0xFFFFFFFF, v14  }
0x6d: {  	v14 =	vbroadcast v14, $0x0;
	_ =	sdelay $0x1  }
0x6e: {  	v13 =	vadd.s32 v13, v14  }
0x6f: {  	s28 =	sadd.s32 $0x1, s28;
	vm15 =	vgt.s32 v13, $0x0  }
0x70: {  	p0 =	seq.s32 s28, $0x4;
	v13 =	vnsel vm15, $0x0, v13  }
.Ltmp4:
0x71: {  	v12 =	vsub.s32 v12, v0;
	(pc) =	sbr.rel @!p0 .LBB2_4-.Ltmp4, $4  }
0x72: {  	s31 =	sadd.s32 $0x10, s29;
	v12 =	vshll.u32 v12, $0xE  }
0x73: {  	v12 =	vadd.s32 s31, v12  }
0x74: {  	v12 =	vadd.s32 v3, v12;
	s8 =	spop (v2sf)  }
0x75: {  	s16 =	sadd.s32 $0x1000, s16;
	[tilespmem:v13+s17+$0x0] =	vst.idx.msk vm0, v12;
	s0 =	sadd.s32 s7, s8  }
0x76: {  	p0 =	slt.s32 s0, $0x1  }
.Ltmp5:
0x77: {  	_ = 	snop;
	(pc) =	sbr.rel @p0 .LBB2_19-.Ltmp5, $2  }
0x78: {  	_ =	sdelay $0x2  }
0x79: {  	s1 =	sadd.s32 s7, s8  }
0x7a: {  	s7 =	simm.s32 $0x1000  }
0x7b: {  	p4 =	sne.s32 s1, $0x1;
	v12 =	vld [tilespmem:s7+$0x0]  }
.Ltmp6:
0x7c: {  	_ = 	snop;
	(pc) =	sbr.rel @!p4 .LBB2_9-.Ltmp6, $3  }
0x7d: {  	_ =	sdelay $0x1  }
0x7e: {  	s8 =	simm.s32 $0x1001;
	p1 =	por $0x0, $0x0  }
0x7f: {  	p2 =	por $0x0, $0x0;
	p3 =	por $0x0, $0x0;
	s7 =	sadd.s32 $0xFFFFFFFF, s1;
	(v2sf) =	vpush v12, $0x0  }
0x80: {  	v12 =	vld [tilespmem:s8+$0x0];
	_ =	sdelay $0x4  }
0x81: {  	(v2sf) =	vpush v12, $0x0;
	_ =	sdelay $0x6  }
0x82: {  	p4 =	sne.s32 s7, $0x1  }
.Ltmp7:
0x83: {  	_ = 	snop;
	(pc) =	sbr.rel @!p4 .LBB2_11-.Ltmp7, $2  }
0x84: {  	_ =	sdelay $0x2  }
0x85: {  	s7 =	sadd.s32 $0xFFFFFFFF, s7;
	s8 =	simm.s32 $0x1002;
	p1 =	por $0x1, $0x1  }
0x86: {  	v12 =	vld [tilespmem:s8+$0x0];
	_ =	sdelay $0x4  }
0x87: {  	(v2sf) =	vpush v12, $0x0;
	_ =	sdelay $0x3  }
0x88: {  	p4 =	sne.s32 s7, $0x1  }
.Ltmp8:
0x89: {  	_ = 	snop;
	(pc) =	sbr.rel @!p4 .LBB2_13-.Ltmp8, $2  }
0x8a: {  	_ =	sdelay $0x2  }
0x8b: {  	s7 =	sadd.s32 $0xFFFFFFFF, s7;
	s8 =	simm.s32 $0x1003;
	p2 =	por $0x1, $0x1  }
0x8c: {  	v12 =	vld [tilespmem:s8+$0x0];
	_ =	sdelay $0x4  }
0x8d: {  	(v2sf) =	vpush v12, $0x0;
	_ =	sdelay $0x3  }
0x8e: {  	p4 =	sne.s32 s7, $0x1  }
.Ltmp9:
0x8f: {  	_ = 	snop;
	(pc) =	sbr.rel @!p4 .LBB2_15-.Ltmp9, $4  }
0x90: {  	s31 =	spop (v2sf)  }
0x91: {  	s28 =	sshrl.u32 s31, $0x17  }
0x92: {  	s16 =	sld [smem:s28+$0x80]  }
0x93: {  	s7 =	sadd.s32 $0xFFFFFFFF, s7;
	s8 =	simm.s32 $0x1004;
	p3 =	por $0x1, $0x1  }
.LBB2_16:
0x94: {  	v12 =	vld [tilespmem:s8+$0x0];
	p4 =	sne.s32 s7, $0x1;
	s7 =	sadd.s32 $0xFFFFFFFF, s7  }
.Ltmp10:
0x95: {  	s9 =	sadd.s32 $0x1, s16;
	(pc) =	sbr.rel @p4 .LBB2_16-.Ltmp10, $4  }
0x96: {  	s16 =	spop (v2sf);
	[smem:s28+$0x80] =	sst s9  }
0x97: {  	s28 =	sshrl.u32 s16, $0x17  }
0x98: {  	s16 =	sld [smem:s28+$0x80]  }
0x99: {  	s8 =	sadd.s32 $0x1, s8;
	(v2sf) =	vpush v12, $0x0  }
0x9a: {  	_ = 	snop  }
.LBB2_18:
0x9b: {  	_ = 	snop  }
0x9c: {  	s7 =	sadd.s32 @p3 $0x1, s16;
	s8 =	spop @p2 (v2sf)  }
0x9d: {  	[smem:s28+$0x80] =	sst @p3 s7;
	s7 =	sshrl.u32 @p2 s8, $0x17  }
0x9e: {  	s8 =	sld @p2 [smem:s7+$0x80];
	_ =	sdelay $0x2  }
0x9f: {  	s8 =	smov.u32 @p2 s8  }
0xa0: {  	s9 =	spop @p1 (v2sf);
	s7 =	smov.u32 @p2 s7;
	s8 =	sadd.s32 @p2 $0x1, s8  }
0xa1: {  	[smem:s7+$0x80] =	sst @p2 s8;
	s7 =	sshrl.u32 @p1 s9, $0x17  }
0xa2: {  	s8 =	sld @p1 [smem:s7+$0x80];
	_ =	sdelay $0x2  }
0xa3: {  	s8 =	smov.u32 @p1 s8  }
0xa4: {  	s7 =	smov.u32 @p1 s7;
	s8 =	sadd.s32 @p1 $0x1, s8;
	s30 =	spop (v2sf)  }
0xa5: {  	[smem:s7+$0x80] =	sst @p1 s8;
	s31 =	sshrl.u32 s30, $0x17  }
0xa6: {  	s8 =	sld [smem:s31+$0x80];
	_ =	sdelay $0x2  }
0xa7: {  	s8 =	sadd.s32 $0x1, s8  }
0xa8: {  	[smem:s31+$0x80] =	sst s8  }
.LBB2_19:
0xa9: {  	s7 =	simm.s32 $0x0;
	s8 =	simm.s32 $0x0;
	s9 =	sld [smem:$0x80]  }
0xaa: {  	[smem:s8] =	sst s7  }
0xab: {  	s8 =	simm.s32 $0x4;
	[smem:$0x100] =	sst s7  }
.LBB2_20:
0xac: {  	p1 =	sne.s32 s8, $0xF8  }
0xad: {  	s7 =	sadd.s32 s7, s9;
	s9 =	smov.u32 s8;
	s8 =	sadd.s32 $0x4, s8  }
.Ltmp11:
0xae: {  	(pc) =	sbr.rel @p1 .LBB2_20-.Ltmp11, $4  }
0xaf: {  	s16 =	sshra.s32 s9, $0x2  }
0xb0: {  	s9 =	sld [smem:s16+$0x80]  }
0xb1: {  	[smem:s16] =	sst s7  }
0xb2: {  	[smem:s16+$0x100] =	sst s7  }
.Ltmp12:
0xb3: {  	(pc) =	sbr.rel @p0 .LBB2_25-.Ltmp12, $4  }
0xb4: {  	_ = 	snop  }
0xb5: {  	[smem:$0x3F] =	sst s0  }
0xb6: {  	[smem:$0xBF] =	sst s3  }
0xb7: {  	[smem:$0x13F] =	sst s0  }
0xb8: {  	p0 =	sne.s32 s1, $0x1  }
.Ltmp13:
0xb9: {  	_ = 	snop;
	(pc) =	sbr.rel @!p0 .LBB2_24-.Ltmp13, $3  }
0xba: {  	_ =	sdelay $0x1  }
0xbb: {  	s0 =	simm.s32 $0x1000  }
0xbc: {  	s1 =	sadd.s32 $0xFFFFFFFF, s1;
	v12 =	vld [tilespmem:s0+$0x0]  }
.LBB2_23:
0xbd: {  	p0 =	sne.s32 s1, $0x1;
	_ =	sdelay $0x3  }
0xbe: {  	(v2sf) =	vpush v12, $0x0;
	_ =	sdelay $0xe  }
0xbf: {  	s7 =	spop (v2sf)  }
0xc0: {  	s7 =	sshrl.u32 s7, $0x17  }
0xc1: {  	s8 =	sld [smem:s7+$0x100];
	_ =	sdelay $0x2  }
0xc2: {  	s9 =	sadd.s32 $0x1, s8;
	v13 =	vmov s8  }
0xc3: {  	[smem:s7+$0x100] =	sst s9  }
.Ltmp14:
0xc4: {  	(pc) =	sbr.rel @p0 .LBB2_23-.Ltmp14, $3  }
0xc5: {  	v12 =	vbroadcast v12, $0x0;
	_ =	sdelay $0x1  }
0xc6: {  	s0 =	sadd.s32 $0x1, s0;
	[tilespmem:v13+s21+$0x0] =	vst.idx.msk $0x1, v12  }
0xc7: {  	s1 =	sadd.s32 $0xFFFFFFFF, s1;
	v12 =	vld [tilespmem:s0+$0x0]  }
.LBB2_24:
0xc8: {  	_ =	sdelay $0x3  }
0xc9: {  	(v2sf) =	vpush v12, $0x0;
	_ =	sdelay $0xe  }
0xca: {  	s0 =	spop (v2sf)  }
0xcb: {  	s0 =	sshrl.u32 s0, $0x17  }
0xcc: {  	s1 =	sld [smem:s0+$0x100];
	_ =	sdelay $0x2  }
0xcd: {  	v13 =	vmov s1;
	_ =	sdelay $0x2  }
0xce: {  	v63 =	vbroadcast v12, $0x0  }
0xcf: {  	s1 =	sadd.s32 $0x1, s1  }
0xd0: {  	[smem:s0+$0x100] =	sst s1;
	[tilespmem:v13+s21+$0x0] =	vst.idx.msk $0x1, v63  }
.LBB2_25:
.Ltmp15:
0xd1: {  	(pc) =	sbr.rel .LBB2_26-.Ltmp15, $2  }
0xd2: {  	_ =	sdelay $0x2  }
0xd3: {  	s1 =	simm.s32 $0x0;
	s0 =	simm.s32 $0x0  }
.LBB2_33:
0xd4: {  	_ =	sdelay $0x3  }
0xd5: {  	[tilespmem:v13+s24+$0x0] =	vst.idx.msk $0xffff, v15  }
0xd6: {  	s10 =	simm.s32 @!p1 $0x3;
	[tilespmem:v12+s25+$0x0] =	vst.idx.msk $0x1, v14  }
0xd7: {  	[hbm4b:s4+s7] =	stream.indirect.scatter @!p1 [tilespmem:s9], [sflag:$0x3], $0x80, s8, s7, $0xb8;
	[tilespmem:$0x1D180] =	vst v63  }
0xd8: {  	_ =	swait.ge @!p1 [sflag:s10], $0x4000  }
0xd9: {  	[sflag:s10] =	ssyncset.done @!p1 $0x0  }
0xda: {  	v12 =	vimm.s32 @!p1 $0x4000;
	[sflag:s10] =	ssyncadd.s32 @!p1 $0xFFFFC000  }
0xdb: {  	[tilespmem:$0x1D100] =	vst @!p1 v12  }
0xdc: {  	[tilespmem:$0x1D170] =	vst @!p1 v12  }
0xdd: {  	[tilespmem:$0x1D160] =	vst @!p1 v12  }
0xde: {  	[tilespmem:$0x1D150] =	vst @!p1 v12  }
0xdf: {  	[tilespmem:$0x1D140] =	vst @!p1 v12  }
0xe0: {  	[tilespmem:$0x1D130] =	vst @!p1 v12  }
0xe1: {  	[tilespmem:$0x1D120] =	vst @!p1 v12  }
0xe2: {  	[tilespmem:$0x1D110] =	vst @!p1 v12  }
.LBB2_34:
0xe3: {  	s0 =	sadd.s32 $0x1, s0  }
0xe4: {  	p0 =	sne.s32 s0, $0x1F  }
.Ltmp16:
0xe5: {  	_ = 	snop;
	(pc) =	sbr.rel @!p0 .LBB2_35-.Ltmp16, $1  }
0xe6: {  	_ =	sdelay $0x3  }
.LBB2_26:
0xe7: {  	s30 =	sshll.u32 s0, $0xA  }
0xe8: {  	s28 =	sor.u32 $0x200, s30  }
0xe9: {  	s7 =	sadd.s32 s28, s5  }
0xea: {  	[tilespmem:s22], [sflag:$0x2] =	stream.strided.gather [hbm4b:s7+s17], $0x8000, s18, s17, $0x38;
	[tilespmem:$0x1D180] =	vst v63  }
0xeb: {  	_ =	swait.ge [sflag:s23], $0x8000  }
0xec: {  	[sflag:s23] =	ssyncset.done $0x0  }
0xed: {  	s29 =	sshll.u32 s0, $0x1;
	[sflag:s23] =	ssyncadd.s32 $0xFFFF8000  }
0xee: {  	s7 =	sld [smem:s29+$0x0]  }
0xef: {  	s31 =	sld [smem:s29+$0x80];
	_ =	sdelay $0x2  }
0xf0: {  	s8 =	sadd.s32 s7, s31  }
0xf1: {  	p0 =	sge.s32 s7, s8  }
.Ltmp17:
0xf2: {  	_ = 	snop;
	(pc) =	sbr.rel @p0 .LBB2_30-.Ltmp17, $1  }
0xf3: {  	_ =	sdelay $0x3  }
0xf4: {  	s7 =	sshll.u32 s7, $0x2  }
0xf5: {  	s7 =	sshra.s32 s7, $0x2  }
0xf6: {  	s16 =	sadd.s32 $0x5080, s7  }
0xf7: {  	v12 =	vld [tilespmem:s16+$0x0];
	_ =	sdelay $0x4  }
0xf8: {  	(v2sf) =	vpush v12, $0x0;
	_ =	sdelay $0xe  }
0xf9: {  	s9 =	spop (v2sf)  }
0xfa: {  	s8 =	sshrl.u32 s9, $0xE  }
0xfb: {  	s8 =	ssub.s32 s8, s30  }
0xfc: {  	p0 =	sgt.s32 s8, $0x0  }
0xfd: {  	s8 =	simm.s32 @!p0 $0x0  }
0xfe: {  	s8 =	smin.u32 s8, $0x1FF  }
0xff: {  	v12 =	vmov s8  }
0x100: {  	v13 =	vshll.u32 v12, $0x3  }
0x101: {  	v12 =	vand.u32 $0x7F, v12;
	v13 =	vand.u32 $0xC00, v13  }
0x102: {  	v13 =	vor.u32 v12, v13  }
0x103: {  	v14 =	vor.u32 v5, v13;
	_ =	sdelay $0x2  }
0x104: {  	v12 =	vmov s1  }
0x105: {  	v15 =	vshll.u32 v12, $0x7  }
0x106: {  	v16 =	vor.u32 v3, v15;
	v14 =	vld.idx.msk [tilespmem:v14+s19+$0x0], $0xffff  }
0x107: {  	v17 =	vor.u32 v6, v13;
	_ =	sdelay $0x3  }
0x108: {  	[tilespmem:v16+s24+$0x0] =	vst.idx.msk $0xffff, v14  }
0x109: {  	v14 =	vor.u32 v7, v15;
	v16 =	vld.idx.msk [tilespmem:v17+s19+$0x0], $0xffff  }
0x10a: {  	v17 =	vor.u32 v8, v13;
	_ =	sdelay $0x3  }
0x10b: {  	[tilespmem:v14+s24+$0x0] =	vst.idx.msk $0xffff, v16  }
0x10c: {  	v14 =	vor.u32 v9, v15;
	v16 =	vld.idx.msk [tilespmem:v17+s19+$0x0], $0xffff  }
0x10d: {  	s31 =	sadd.s32 $0xFFFFFFFF, s31;
	v17 =	vor.u32 v10, v13  }
0x10e: {  	p0 =	sne.s32 s31, $0x0  }
.Ltmp18:
0x10f: {  	_ = 	snop;
	(pc) =	sbr.rel @!p0 .LBB2_29-.Ltmp18, $4  }
0x110: {  	s1 =	sadd.s32 $0x1, s1  }
0x111: {  	p1 =	sne.s32 s1, $0x80;
	[tilespmem:v14+s24+$0x0] =	vst.idx.msk $0xffff, v16  }
0x112: {  	s10 =	sand.u32 $0x3FFF, s9;
	s7 =	simm.s32 @!p1 $0x80;
	v13 =	vor.u32 v11, v15;
	v15 =	vld.idx.msk [tilespmem:v17+s19+$0x0], $0xffff  }
0x113: {  	s8 =	simm.s32 @!p1 $0x1D100;
	s9 =	simm.s32 @!p1 $0x19100;
	s1 =	simm.s32 @!p1 $0x0;
	v14 =	vmov s10  }
.LBB2_28:
0x114: {  	_ =	sdelay $0x1  }
0x115: {  	s31 =	sadd.s32 $0xFFFFFFFF, s31;
	s16 =	sadd.s32 $0x1, s16  }
0x116: {  	p0 =	sne.s32 s31, $0x0;
	[tilespmem:v13+s24+$0x0] =	vst.idx.msk $0xffff, v15  }
0x117: {  	s10 =	simm.s32 @!p1 $0x3;
	[tilespmem:v12+s25+$0x0] =	vst.idx.msk $0x1, v14  }
0x118: {  	[hbm4b:s4+s7] =	stream.indirect.scatter @!p1 [tilespmem:s9], [sflag:$0x3], $0x80, s8, s7, $0xb8;
	[tilespmem:$0x1D180] =	vst v63  }
0x119: {  	_ =	swait.ge @!p1 [sflag:s10], $0x4000  }
0x11a: {  	[sflag:s10] =	ssyncset.done @!p1 $0x0  }
0x11b: {  	v12 =	vimm.s32 @!p1 $0x4000;
	[sflag:s10] =	ssyncadd.s32 @!p1 $0xFFFFC000  }
0x11c: {  	[tilespmem:$0x1D100] =	vst @!p1 v12  }
0x11d: {  	[tilespmem:$0x1D170] =	vst @!p1 v12  }
0x11e: {  	[tilespmem:$0x1D160] =	vst @!p1 v12  }
0x11f: {  	[tilespmem:$0x1D150] =	vst @!p1 v12  }
0x120: {  	[tilespmem:$0x1D140] =	vst @!p1 v12  }
0x121: {  	[tilespmem:$0x1D130] =	vst @!p1 v12  }
0x122: {  	[tilespmem:$0x1D120] =	vst @!p1 v12  }
0x123: {  	[tilespmem:$0x1D110] =	vst @!p1 v12  }
0x124: {  	v12 =	vld [tilespmem:s16+$0x0];
	_ =	sdelay $0x4  }
0x125: {  	(v2sf) =	vpush v12, $0x0;
	_ =	sdelay $0xe  }
0x126: {  	s7 =	spop (v2sf)  }
0x127: {  	s8 =	sshrl.u32 s7, $0xE  }
0x128: {  	s8 =	ssub.s32 s8, s30  }
0x129: {  	p1 =	sgt.s32 s8, $0x0  }
0x12a: {  	s8 =	simm.s32 @!p1 $0x0  }
0x12b: {  	s8 =	smin.u32 s8, $0x1FF  }
0x12c: {  	v13 =	vmov s8  }
0x12d: {  	v12 =	vmov s1;
	v14 =	vshll.u32 v13, $0x3  }
0x12e: {  	v15 =	vshll.u32 v12, $0x7;
	v13 =	vand.u32 $0x7F, v13;
	v14 =	vand.u32 $0xC00, v14  }
0x12f: {  	v13 =	vor.u32 v13, v14;
	v14 =	vor.u32 v3, v15  }
0x130: {  	v16 =	vor.u32 v5, v13;
	v17 =	vor.u32 v6, v13;
	_ =	sdelay $0x4  }
0x131: {  	v16 =	vld.idx.msk [tilespmem:v16+s19+$0x0], $0xffff  }
0x132: {  	v18 =	vor.u32 v7, v15  }
0x133: {  	v19 =	vor.u32 v8, v13;
	_ =	sdelay $0x3  }
0x134: {  	[tilespmem:v14+s24+$0x0] =	vst.idx.msk $0xffff, v16  }
0x135: {  	v14 =	vld.idx.msk [tilespmem:v17+s19+$0x0], $0xffff  }
0x136: {  	v16 =	vor.u32 v9, v15  }
0x137: {  	v17 =	vor.u32 v10, v13;
	_ =	sdelay $0x3  }
0x138: {  	[tilespmem:v18+s24+$0x0] =	vst.idx.msk $0xffff, v14  }
0x139: {  	v14 =	vld.idx.msk [tilespmem:v19+s19+$0x0], $0xffff  }
0x13a: {  	v13 =	vor.u32 v11, v15;
	_ =	sdelay $0x2  }
.Ltmp19:
0x13b: {  	(pc) =	sbr.rel @p0 .LBB2_28-.Ltmp19, $4  }
0x13c: {  	s1 =	sadd.s32 $0x1, s1;
	s7 =	sand.u32 $0x3FFF, s7  }
0x13d: {  	p1 =	sne.s32 s1, $0x80;
	[tilespmem:v16+s24+$0x0] =	vst.idx.msk $0xffff, v14;
	v14 =	vmov s7  }
0x13e: {  	s9 =	simm.s32 @!p1 $0x19100;
	s8 =	simm.s32 @!p1 $0x1D100;
	s7 =	simm.s32 @!p1 $0x80;
	v15 =	vld.idx.msk [tilespmem:v17+s19+$0x0], $0xffff  }
0x13f: {  	s1 =	simm.s32 @!p1 $0x0  }
.LBB2_29:
0x140: {  	_ =	sdelay $0x3  }
0x141: {  	[tilespmem:v13+s24+$0x0] =	vst.idx.msk $0xffff, v15  }
0x142: {  	s10 =	simm.s32 @!p1 $0x3;
	[tilespmem:v12+s25+$0x0] =	vst.idx.msk $0x1, v14  }
0x143: {  	[hbm4b:s4+s7] =	stream.indirect.scatter @!p1 [tilespmem:s9], [sflag:$0x3], $0x80, s8, s7, $0xb8;
	[tilespmem:$0x1D180] =	vst v63  }
0x144: {  	_ =	swait.ge @!p1 [sflag:s10], $0x4000  }
0x145: {  	[sflag:s10] =	ssyncset.done @!p1 $0x0  }
0x146: {  	v12 =	vimm.s32 @!p1 $0x4000;
	[sflag:s10] =	ssyncadd.s32 @!p1 $0xFFFFC000  }
0x147: {  	[tilespmem:$0x1D100] =	vst @!p1 v12  }
0x148: {  	[tilespmem:$0x1D170] =	vst @!p1 v12  }
0x149: {  	[tilespmem:$0x1D160] =	vst @!p1 v12  }
0x14a: {  	[tilespmem:$0x1D150] =	vst @!p1 v12  }
0x14b: {  	[tilespmem:$0x1D140] =	vst @!p1 v12  }
0x14c: {  	[tilespmem:$0x1D130] =	vst @!p1 v12  }
0x14d: {  	[tilespmem:$0x1D120] =	vst @!p1 v12  }
0x14e: {  	[tilespmem:$0x1D110] =	vst @!p1 v12  }
.LBB2_30:
0x14f: {  	p0 =	seq.s32 s0, $0x1E  }
0x150: {  	s7 =	sadd.s32 @!p0 s30, s6  }
0x151: {  	s8 =	simm.s32 @!p0 $0x1000;
	s9 =	simm.s32 @!p0 $0x7A1400;
	s10 =	simm.s32 @!p0 $0x9100  }
0x152: {  	[tilespmem:s10], [sflag:$0x1] =	stream.strided.gather @!p0 [hbm4b:s7+s8], $0x8000, s9, s8, $0x38;
	[tilespmem:$0x1D180] =	vst v63  }
0x153: {  	_ =	swait.ge [sflag:s26], $0x8000  }
0x154: {  	[sflag:s26] =	ssyncset.done $0x0  }
0x155: {  	s30 =	sor.u32 $0x1, s29;
	[sflag:s26] =	ssyncadd.s32 $0xFFFF8000  }
0x156: {  	s7 =	sld [smem:s30+$0x0]  }
0x157: {  	s29 =	sld [smem:s29+$0x81];
	_ =	sdelay $0x2  }
0x158: {  	s31 =	sadd.s32 s7, s29  }
0x159: {  	p0 =	sge.s32 s7, s31  }
.Ltmp20:
0x15a: {  	_ = 	snop;
	(pc) =	sbr.rel @p0 .LBB2_34-.Ltmp20, $1  }
0x15b: {  	_ =	sdelay $0x3  }
0x15c: {  	s7 =	sshll.u32 s7, $0x2  }
0x15d: {  	s7 =	sshra.s32 s7, $0x2  }
0x15e: {  	s16 =	sadd.s32 $0x5080, s7  }
0x15f: {  	v12 =	vld [tilespmem:s16+$0x0];
	_ =	sdelay $0x4  }
0x160: {  	(v2sf) =	vpush v12, $0x0;
	_ =	sdelay $0xe  }
0x161: {  	s30 =	spop (v2sf)  }
0x162: {  	s8 =	sshrl.u32 s30, $0xE  }
0x163: {  	s8 =	ssub.s32 s8, s28  }
0x164: {  	p0 =	sgt.s32 s8, $0x0  }
0x165: {  	s8 =	simm.s32 @!p0 $0x0  }
0x166: {  	s8 =	smin.u32 s8, $0x1FF  }
0x167: {  	v12 =	vmov s8  }
0x168: {  	v13 =	vshll.u32 v12, $0x3  }
0x169: {  	v12 =	vand.u32 $0x7F, v12;
	v13 =	vand.u32 $0xC00, v13  }
0x16a: {  	v13 =	vor.u32 v12, v13  }
0x16b: {  	v14 =	vor.u32 v5, v13;
	_ =	sdelay $0x2  }
0x16c: {  	v12 =	vmov s1  }
0x16d: {  	v15 =	vshll.u32 v12, $0x7  }
0x16e: {  	v16 =	vor.u32 v3, v15;
	v14 =	vld.idx.msk [tilespmem:v14+s22+$0x0], $0xffff  }
0x16f: {  	v17 =	vor.u32 v6, v13;
	_ =	sdelay $0x3  }
0x170: {  	[tilespmem:v16+s24+$0x0] =	vst.idx.msk $0xffff, v14  }
0x171: {  	v14 =	vor.u32 v7, v15;
	v16 =	vld.idx.msk [tilespmem:v17+s22+$0x0], $0xffff  }
0x172: {  	v17 =	vor.u32 v8, v13;
	_ =	sdelay $0x3  }
0x173: {  	[tilespmem:v14+s24+$0x0] =	vst.idx.msk $0xffff, v16  }
0x174: {  	v14 =	vor.u32 v9, v15;
	v16 =	vld.idx.msk [tilespmem:v17+s22+$0x0], $0xffff  }
0x175: {  	v17 =	vor.u32 v10, v13;
	_ =	sdelay $0x1  }
0x176: {  	s29 =	sadd.s32 $0xFFFFFFFF, s29  }
0x177: {  	p0 =	sne.s32 s29, $0x0  }
.Ltmp21:
0x178: {  	[tilespmem:v14+s24+$0x0] =	vst.idx.msk $0xffff, v16;
	(pc) =	sbr.rel @!p0 .LBB2_33-.Ltmp21, $4  }
0x179: {  	s1 =	sadd.s32 $0x1, s1;
	v13 =	vor.u32 v11, v15;
	v15 =	vld.idx.msk [tilespmem:v17+s22+$0x0], $0xffff  }
0x17a: {  	p1 =	sne.s32 s1, $0x80  }
0x17b: {  	s31 =	sand.u32 $0x3FFF, s30;
	s7 =	simm.s32 @!p1 $0x80  }
0x17c: {  	s8 =	simm.s32 @!p1 $0x1D100;
	s9 =	simm.s32 @!p1 $0x19100;
	s1 =	simm.s32 @!p1 $0x0;
	v14 =	vmov s31  }
.LBB2_32:
0x17d: {  	s29 =	sadd.s32 $0xFFFFFFFF, s29;
	s16 =	sadd.s32 $0x1, s16  }
0x17e: {  	p0 =	sne.s32 s29, $0x0;
	[tilespmem:v13+s24+$0x0] =	vst.idx.msk $0xffff, v15  }
0x17f: {  	s10 =	simm.s32 @!p1 $0x3;
	[tilespmem:v12+s25+$0x0] =	vst.idx.msk $0x1, v14  }
0x180: {  	[hbm4b:s4+s7] =	stream.indirect.scatter @!p1 [tilespmem:s9], [sflag:$0x3], $0x80, s8, s7, $0xb8;
	[tilespmem:$0x1D180] =	vst v63  }
0x181: {  	_ =	swait.ge @!p1 [sflag:s10], $0x4000  }
0x182: {  	[sflag:s10] =	ssyncset.done @!p1 $0x0  }
0x183: {  	v12 =	vimm.s32 @!p1 $0x4000;
	[sflag:s10] =	ssyncadd.s32 @!p1 $0xFFFFC000  }
0x184: {  	[tilespmem:$0x1D100] =	vst @!p1 v12  }
0x185: {  	[tilespmem:$0x1D170] =	vst @!p1 v12  }
0x186: {  	[tilespmem:$0x1D160] =	vst @!p1 v12  }
0x187: {  	[tilespmem:$0x1D150] =	vst @!p1 v12  }
0x188: {  	[tilespmem:$0x1D140] =	vst @!p1 v12  }
0x189: {  	[tilespmem:$0x1D130] =	vst @!p1 v12  }
0x18a: {  	[tilespmem:$0x1D120] =	vst @!p1 v12  }
0x18b: {  	[tilespmem:$0x1D110] =	vst @!p1 v12  }
0x18c: {  	v12 =	vld [tilespmem:s16+$0x0];
	_ =	sdelay $0x4  }
0x18d: {  	(v2sf) =	vpush v12, $0x0;
	_ =	sdelay $0xe  }
0x18e: {  	s7 =	spop (v2sf)  }
0x18f: {  	s8 =	sshrl.u32 s7, $0xE  }
0x190: {  	s8 =	ssub.s32 s8, s28  }
0x191: {  	p1 =	sgt.s32 s8, $0x0  }
0x192: {  	s8 =	simm.s32 @!p1 $0x0  }
0x193: {  	s8 =	smin.u32 s8, $0x1FF  }
0x194: {  	v13 =	vmov s8  }
0x195: {  	v12 =	vmov s1;
	v14 =	vshll.u32 v13, $0x3  }
0x196: {  	v15 =	vshll.u32 v12, $0x7;
	v13 =	vand.u32 $0x7F, v13;
	v14 =	vand.u32 $0xC00, v14  }
0x197: {  	v13 =	vor.u32 v13, v14;
	v14 =	vor.u32 v3, v15  }
0x198: {  	v16 =	vor.u32 v5, v13;
	v17 =	vor.u32 v6, v13;
	_ =	sdelay $0x4  }
0x199: {  	v16 =	vld.idx.msk [tilespmem:v16+s22+$0x0], $0xffff  }
0x19a: {  	v18 =	vor.u32 v7, v15  }
0x19b: {  	v19 =	vor.u32 v8, v13;
	_ =	sdelay $0x3  }
0x19c: {  	[tilespmem:v14+s24+$0x0] =	vst.idx.msk $0xffff, v16  }
0x19d: {  	v14 =	vld.idx.msk [tilespmem:v17+s22+$0x0], $0xffff  }
0x19e: {  	v16 =	vor.u32 v9, v15  }
0x19f: {  	v17 =	vor.u32 v10, v13;
	_ =	sdelay $0x3  }
0x1a0: {  	[tilespmem:v18+s24+$0x0] =	vst.idx.msk $0xffff, v14  }
0x1a1: {  	v14 =	vld.idx.msk [tilespmem:v19+s22+$0x0], $0xffff  }
0x1a2: {  	v13 =	vor.u32 v11, v15;
	_ =	sdelay $0x2  }
.Ltmp22:
0x1a3: {  	(pc) =	sbr.rel @p0 .LBB2_32-.Ltmp22, $4  }
0x1a4: {  	s1 =	sadd.s32 $0x1, s1;
	s7 =	sand.u32 $0x3FFF, s7  }
0x1a5: {  	p1 =	sne.s32 s1, $0x80;
	[tilespmem:v16+s24+$0x0] =	vst.idx.msk $0xffff, v14;
	v14 =	vmov s7  }
0x1a6: {  	s9 =	simm.s32 @!p1 $0x19100;
	s8 =	simm.s32 @!p1 $0x1D100;
	s7 =	simm.s32 @!p1 $0x80;
	v15 =	vld.idx.msk [tilespmem:v17+s22+$0x0], $0xffff  }
0x1a7: {  	s1 =	simm.s32 @!p1 $0x0  }
.Ltmp23:
0x1a8: {  	_ = 	snop;
	(pc) =	sbr.rel .LBB2_33-.Ltmp23, $1  }
0x1a9: {  	_ =	sdelay $0x3  }
.LBB2_35:
0x1aa: {  	[tilespmem:s19], [sflag:$0x1] =	stream.linear.gather [hbm4b:s13+s3], $0x40, $0x38;
	[tilespmem:$0x1D180] =	vst v63  }
0x1ab: {  	s0 =	sadd.s32 $0x10, s13;
	s7 =	simm.s32 $0x9180  }
0x1ac: {  	[tilespmem:s7], [sflag:$0x1] =	stream.linear.gather [hbm4b:s0+s3], $0x40, $0x38;
	[tilespmem:$0x1D180] =	vst v63  }
0x1ad: {  	s10 =	sadd.s32 $0x20, s13;
	s16 =	simm.s32 $0x9200  }
0x1ae: {  	[tilespmem:s16], [sflag:$0x1] =	stream.linear.gather [hbm4b:s10+s3], $0x40, $0x38;
	[tilespmem:$0x1D180] =	vst v63  }
0x1af: {  	s28 =	sadd.s32 $0x30, s13;
	s29 =	simm.s32 $0x9280  }
0x1b0: {  	[tilespmem:s29], [sflag:$0x1] =	stream.linear.gather [hbm4b:s28+s3], $0x40, $0x38;
	[tilespmem:$0x1D180] =	vst v63  }
0x1b1: {  	s30 =	sadd.s32 $0x40, s13;
	s31 =	simm.s32 $0x9300  }
0x1b2: {  	[tilespmem:s31], [sflag:$0x1] =	stream.linear.gather [hbm4b:s30+s3], $0x40, $0x38;
	[tilespmem:$0x1D180] =	vst v63  }
0x1b3: {  	s8 =	sadd.s32 $0x50, s13;
	s9 =	simm.s32 $0x9380  }
0x1b4: {  	[tilespmem:s9], [sflag:$0x1] =	stream.linear.gather [hbm4b:s8+s3], $0x40, $0x38;
	[tilespmem:$0x1D180] =	vst v63  }
0x1b5: {  	s10 =	sadd.s32 $0x60, s13;
	s16 =	simm.s32 $0x9400  }
0x1b6: {  	[tilespmem:s16], [sflag:$0x1] =	stream.linear.gather [hbm4b:s10+s3], $0x40, $0x38;
	[tilespmem:$0x1D180] =	vst v63  }
0x1b7: {  	s28 =	sadd.s32 $0x70, s13;
	s29 =	simm.s32 $0x9480  }
0x1b8: {  	[tilespmem:s29], [sflag:$0x1] =	stream.linear.gather [hbm4b:s28+s3], $0x40, $0x38;
	[tilespmem:$0x1D180] =	vst v63  }
0x1b9: {  	s7 =	rddreg [dreg:$0x4];
	s30 =	simm.s32 $0xA100  }
0x1ba: {  	[tilespmem:s30], [sflag:$0x1] =	stream.linear.gather [hbm4b:s7+s3], $0x40, $0x38;
	[tilespmem:$0x1D180] =	vst v63  }
0x1bb: {  	s31 =	sadd.s32 $0x10, s7;
	s8 =	simm.s32 $0xA180  }
0x1bc: {  	[tilespmem:s8], [sflag:$0x1] =	stream.linear.gather [hbm4b:s31+s3], $0x40, $0x38;
	[tilespmem:$0x1D180] =	vst v63  }
0x1bd: {  	s9 =	simm.s32 $0xA200;
	s8 =	sadd.s32 $0x20, s7  }
0x1be: {  	[tilespmem:s9], [sflag:$0x1] =	stream.linear.gather [hbm4b:s8+s3], $0x40, $0x38;
	[tilespmem:$0x1D180] =	vst v63  }
0x1bf: {  	s10 =	sadd.s32 $0x30, s7;
	s16 =	simm.s32 $0xA280  }
0x1c0: {  	[tilespmem:s16], [sflag:$0x1] =	stream.linear.gather [hbm4b:s10+s3], $0x40, $0x38;
	[tilespmem:$0x1D180] =	vst v63  }
0x1c1: {  	s28 =	sadd.s32 $0x40, s7;
	s29 =	simm.s32 $0xA300  }
0x1c2: {  	[tilespmem:s29], [sflag:$0x1] =	stream.linear.gather [hbm4b:s28+s3], $0x40, $0x38;
	[tilespmem:$0x1D180] =	vst v63  }
0x1c3: {  	s30 =	sadd.s32 $0x50, s7;
	s31 =	simm.s32 $0xA380  }
0x1c4: {  	[tilespmem:s31], [sflag:$0x1] =	stream.linear.gather [hbm4b:s30+s3], $0x40, $0x38;
	[tilespmem:$0x1D180] =	vst v63  }
0x1c5: {  	s9 =	sadd.s32 $0x60, s7;
	s10 =	simm.s32 $0xA400  }
0x1c6: {  	[tilespmem:s10], [sflag:$0x1] =	stream.linear.gather [hbm4b:s9+s3], $0x40, $0x38;
	[tilespmem:$0x1D180] =	vst v63  }
0x1c7: {  	s16 =	sadd.s32 $0x70, s7;
	s28 =	simm.s32 $0xA480  }
0x1c8: {  	[tilespmem:s28], [sflag:$0x1] =	stream.linear.gather [hbm4b:s16+s3], $0x40, $0x38;
	[tilespmem:$0x1D180] =	vst v63  }
0x1c9: {  	s7 =	rddreg [dreg:$0x5];
	s29 =	simm.s32 $0xB100  }
0x1ca: {  	[tilespmem:s29], [sflag:$0x1] =	stream.linear.gather [hbm4b:s7+s3], $0x40, $0x38;
	[tilespmem:$0x1D180] =	vst v63  }
0x1cb: {  	s30 =	sadd.s32 $0x10, s7;
	s31 =	simm.s32 $0xB180  }
0x1cc: {  	[tilespmem:s31], [sflag:$0x1] =	stream.linear.gather [hbm4b:s30+s3], $0x40, $0x38;
	[tilespmem:$0x1D180] =	vst v63  }
0x1cd: {  	s8 =	sadd.s32 $0x20, s7;
	s9 =	simm.s32 $0xB200  }
0x1ce: {  	[tilespmem:s9], [sflag:$0x1] =	stream.linear.gather [hbm4b:s8+s3], $0x40, $0x38;
	[tilespmem:$0x1D180] =	vst v63  }
0x1cf: {  	s10 =	sadd.s32 $0x30, s7;
	s16 =	simm.s32 $0xB280  }
0x1d0: {  	[tilespmem:s16], [sflag:$0x1] =	stream.linear.gather [hbm4b:s10+s3], $0x40, $0x38;
	[tilespmem:$0x1D180] =	vst v63  }
0x1d1: {  	s28 =	sadd.s32 $0x40, s7;
	s29 =	simm.s32 $0xB300  }
0x1d2: {  	[tilespmem:s29], [sflag:$0x1] =	stream.linear.gather [hbm4b:s28+s3], $0x40, $0x38;
	[tilespmem:$0x1D180] =	vst v63  }
0x1d3: {  	s30 =	sadd.s32 $0x50, s7;
	s31 =	simm.s32 $0xB380  }
0x1d4: {  	[tilespmem:s31], [sflag:$0x1] =	stream.linear.gather [hbm4b:s30+s3], $0x40, $0x38;
	[tilespmem:$0x1D180] =	vst v63  }
0x1d5: {  	s9 =	sadd.s32 $0x60, s7;
	s10 =	simm.s32 $0xB400  }
0x1d6: {  	[tilespmem:s10], [sflag:$0x1] =	stream.linear.gather [hbm4b:s9+s3], $0x40, $0x38;
	[tilespmem:$0x1D180] =	vst v63  }
0x1d7: {  	s16 =	sadd.s32 $0x70, s7;
	s28 =	simm.s32 $0xB480  }
0x1d8: {  	[tilespmem:s28], [sflag:$0x1] =	stream.linear.gather [hbm4b:s16+s3], $0x40, $0x38;
	[tilespmem:$0x1D180] =	vst v63  }
0x1d9: {  	s7 =	rddreg [dreg:$0x6];
	s29 =	simm.s32 $0xC100  }
0x1da: {  	[tilespmem:s29], [sflag:$0x1] =	stream.linear.gather [hbm4b:s7+s3], $0x40, $0x38;
	[tilespmem:$0x1D180] =	vst v63  }
0x1db: {  	s30 =	sadd.s32 $0x10, s7;
	s31 =	simm.s32 $0xC180  }
0x1dc: {  	[tilespmem:s31], [sflag:$0x1] =	stream.linear.gather [hbm4b:s30+s3], $0x40, $0x38;
	[tilespmem:$0x1D180] =	vst v63  }
0x1dd: {  	s8 =	sadd.s32 $0x20, s7;
	s9 =	simm.s32 $0xC200  }
0x1de: {  	[tilespmem:s9], [sflag:$0x1] =	stream.linear.gather [hbm4b:s8+s3], $0x40, $0x38;
	[tilespmem:$0x1D180] =	vst v63  }
0x1df: {  	s10 =	sadd.s32 $0x30, s7;
	s16 =	simm.s32 $0xC280  }
0x1e0: {  	[tilespmem:s16], [sflag:$0x1] =	stream.linear.gather [hbm4b:s10+s3], $0x40, $0x38;
	[tilespmem:$0x1D180] =	vst v63  }
0x1e1: {  	s28 =	sadd.s32 $0x40, s7;
	s29 =	simm.s32 $0xC300  }
0x1e2: {  	[tilespmem:s29], [sflag:$0x1] =	stream.linear.gather [hbm4b:s28+s3], $0x40, $0x38;
	[tilespmem:$0x1D180] =	vst v63  }
0x1e3: {  	s30 =	sadd.s32 $0x50, s7;
	s31 =	simm.s32 $0xC380  }
0x1e4: {  	[tilespmem:s31], [sflag:$0x1] =	stream.linear.gather [hbm4b:s30+s3], $0x40, $0x38;
	[tilespmem:$0x1D180] =	vst v63  }
0x1e5: {  	s9 =	sadd.s32 $0x60, s7;
	s10 =	simm.s32 $0xC400  }
0x1e6: {  	[tilespmem:s10], [sflag:$0x1] =	stream.linear.gather [hbm4b:s9+s3], $0x40, $0x38;
	[tilespmem:$0x1D180] =	vst v63  }
0x1e7: {  	s16 =	sadd.s32 $0x70, s7;
	s28 =	simm.s32 $0xC480  }
0x1e8: {  	[tilespmem:s28], [sflag:$0x1] =	stream.linear.gather [hbm4b:s16+s3], $0x40, $0x38;
	[tilespmem:$0x1D180] =	vst v63  }
0x1e9: {  	s7 =	rddreg [dreg:$0x7];
	s29 =	simm.s32 $0xD100  }
0x1ea: {  	[tilespmem:s29], [sflag:$0x1] =	stream.linear.gather [hbm4b:s7+s3], $0x40, $0x38;
	[tilespmem:$0x1D180] =	vst v63  }
0x1eb: {  	s30 =	sadd.s32 $0x10, s7;
	s31 =	simm.s32 $0xD180  }
0x1ec: {  	[tilespmem:s31], [sflag:$0x1] =	stream.linear.gather [hbm4b:s30+s3], $0x40, $0x38;
	[tilespmem:$0x1D180] =	vst v63  }
0x1ed: {  	s8 =	sadd.s32 $0x20, s7;
	s9 =	simm.s32 $0xD200  }
0x1ee: {  	[tilespmem:s9], [sflag:$0x1] =	stream.linear.gather [hbm4b:s8+s3], $0x40, $0x38;
	[tilespmem:$0x1D180] =	vst v63  }
0x1ef: {  	s10 =	sadd.s32 $0x30, s7;
	s16 =	simm.s32 $0xD280  }
0x1f0: {  	[tilespmem:s16], [sflag:$0x1] =	stream.linear.gather [hbm4b:s10+s3], $0x40, $0x38;
	[tilespmem:$0x1D180] =	vst v63  }
0x1f1: {  	s28 =	sadd.s32 $0x40, s7;
	s29 =	simm.s32 $0xD300  }
0x1f2: {  	[tilespmem:s29], [sflag:$0x1] =	stream.linear.gather [hbm4b:s28+s3], $0x40, $0x38;
	[tilespmem:$0x1D180] =	vst v63  }
0x1f3: {  	s30 =	sadd.s32 $0x50, s7;
	s31 =	simm.s32 $0xD380  }
0x1f4: {  	[tilespmem:s31], [sflag:$0x1] =	stream.linear.gather [hbm4b:s30+s3], $0x40, $0x38;
	[tilespmem:$0x1D180] =	vst v63  }
0x1f5: {  	s9 =	sadd.s32 $0x60, s7;
	s10 =	simm.s32 $0xD400  }
0x1f6: {  	[tilespmem:s10], [sflag:$0x1] =	stream.linear.gather [hbm4b:s9+s3], $0x40, $0x38;
	[tilespmem:$0x1D180] =	vst v63  }
0x1f7: {  	s16 =	sadd.s32 $0x70, s7;
	s28 =	simm.s32 $0xD480  }
0x1f8: {  	[tilespmem:s28], [sflag:$0x1] =	stream.linear.gather [hbm4b:s16+s3], $0x40, $0x38;
	[tilespmem:$0x1D180] =	vst v63  }
0x1f9: {  	s29 =	simm.s32 $0xE100  }
0x1fa: {  	[tilespmem:s29], [sflag:$0x1] =	stream.linear.gather [hbm4b:s11+s3], $0x40, $0x38;
	[tilespmem:$0x1D180] =	vst v63  }
0x1fb: {  	s30 =	sadd.s32 $0x10, s11;
	s31 =	simm.s32 $0xE180  }
0x1fc: {  	[tilespmem:s31], [sflag:$0x1] =	stream.linear.gather [hbm4b:s30+s3], $0x40, $0x38;
	[tilespmem:$0x1D180] =	vst v63  }
0x1fd: {  	s8 =	sadd.s32 $0x20, s11;
	s9 =	simm.s32 $0xE200  }
0x1fe: {  	[tilespmem:s9], [sflag:$0x1] =	stream.linear.gather [hbm4b:s8+s3], $0x40, $0x38;
	[tilespmem:$0x1D180] =	vst v63  }
0x1ff: {  	s10 =	sadd.s32 $0x30, s11;
	s16 =	simm.s32 $0xE280  }
0x200: {  	[tilespmem:s16], [sflag:$0x1] =	stream.linear.gather [hbm4b:s10+s3], $0x40, $0x38;
	[tilespmem:$0x1D180] =	vst v63  }
0x201: {  	s28 =	sadd.s32 $0x40, s11;
	s29 =	simm.s32 $0xE300  }
0x202: {  	[tilespmem:s29], [sflag:$0x1] =	stream.linear.gather [hbm4b:s28+s3], $0x40, $0x38;
	[tilespmem:$0x1D180] =	vst v63  }
0x203: {  	s30 =	sadd.s32 $0x50, s11;
	s31 =	simm.s32 $0xE380  }
0x204: {  	[tilespmem:s31], [sflag:$0x1] =	stream.linear.gather [hbm4b:s30+s3], $0x40, $0x38;
	[tilespmem:$0x1D180] =	vst v63  }
0x205: {  	s7 =	sadd.s32 $0x60, s11;
	s8 =	simm.s32 $0xE400  }
0x206: {  	[tilespmem:s8], [sflag:$0x1] =	stream.linear.gather [hbm4b:s7+s3], $0x40, $0x38;
	[tilespmem:$0x1D180] =	vst v63  }
0x207: {  	s9 =	sadd.s32 $0x70, s11;
	s10 =	simm.s32 $0xE480  }
0x208: {  	[tilespmem:s10], [sflag:$0x1] =	stream.linear.gather [hbm4b:s9+s3], $0x40, $0x38;
	[tilespmem:$0x1D180] =	vst v63  }
0x209: {  	s16 =	simm.s32 $0xF100  }
0x20a: {  	[tilespmem:s16], [sflag:$0x1] =	stream.linear.gather [hbm4b:s12+s3], $0x40, $0x38;
	[tilespmem:$0x1D180] =	vst v63  }
0x20b: {  	s28 =	sadd.s32 $0x10, s12;
	s29 =	simm.s32 $0xF180  }
0x20c: {  	[tilespmem:s29], [sflag:$0x1] =	stream.linear.gather [hbm4b:s28+s3], $0x40, $0x38;
	[tilespmem:$0x1D180] =	vst v63  }
0x20d: {  	s30 =	sadd.s32 $0x20, s12;
	s31 =	simm.s32 $0xF200  }
0x20e: {  	[tilespmem:s31], [sflag:$0x1] =	stream.linear.gather [hbm4b:s30+s3], $0x40, $0x38;
	[tilespmem:$0x1D180] =	vst v63  }
0x20f: {  	s8 =	sadd.s32 $0x30, s12;
	s9 =	simm.s32 $0xF280  }
0x210: {  	[tilespmem:s9], [sflag:$0x1] =	stream.linear.gather [hbm4b:s8+s3], $0x40, $0x38;
	[tilespmem:$0x1D180] =	vst v63  }
0x211: {  	s10 =	sadd.s32 $0x40, s12;
	s16 =	simm.s32 $0xF300  }
0x212: {  	[tilespmem:s16], [sflag:$0x1] =	stream.linear.gather [hbm4b:s10+s3], $0x40, $0x38;
	[tilespmem:$0x1D180] =	vst v63  }
0x213: {  	s28 =	sadd.s32 $0x50, s12;
	s29 =	simm.s32 $0xF380  }
0x214: {  	[tilespmem:s29], [sflag:$0x1] =	stream.linear.gather [hbm4b:s28+s3], $0x40, $0x38;
	[tilespmem:$0x1D180] =	vst v63  }
0x215: {  	s30 =	sadd.s32 $0x60, s12;
	s31 =	simm.s32 $0xF400  }
0x216: {  	[tilespmem:s31], [sflag:$0x1] =	stream.linear.gather [hbm4b:s30+s3], $0x40, $0x38;
	[tilespmem:$0x1D180] =	vst v63  }
0x217: {  	s7 =	sadd.s32 $0x70, s12;
	s8 =	simm.s32 $0xF480  }
0x218: {  	[tilespmem:s8], [sflag:$0x1] =	stream.linear.gather [hbm4b:s7+s3], $0x40, $0x38;
	[tilespmem:$0x1D180] =	vst v63  }
0x219: {  	s9 =	simm.s32 $0x10100  }
0x21a: {  	[tilespmem:s9], [sflag:$0x1] =	stream.linear.gather [hbm4b:s14+s3], $0x40, $0x38;
	[tilespmem:$0x1D180] =	vst v63  }
0x21b: {  	s10 =	sadd.s32 $0x10, s14;
	s16 =	simm.s32 $0x10180  }
0x21c: {  	[tilespmem:s16], [sflag:$0x1] =	stream.linear.gather [hbm4b:s10+s3], $0x40, $0x38;
	[tilespmem:$0x1D180] =	vst v63  }
0x21d: {  	s28 =	sadd.s32 $0x20, s14;
	s29 =	simm.s32 $0x10200  }
0x21e: {  	[tilespmem:s29], [sflag:$0x1] =	stream.linear.gather [hbm4b:s28+s3], $0x40, $0x38;
	[tilespmem:$0x1D180] =	vst v63  }
0x21f: {  	s30 =	sadd.s32 $0x30, s14;
	s31 =	simm.s32 $0x10280  }
0x220: {  	[tilespmem:s31], [sflag:$0x1] =	stream.linear.gather [hbm4b:s30+s3], $0x40, $0x38;
	[tilespmem:$0x1D180] =	vst v63  }
0x221: {  	s7 =	sadd.s32 $0x40, s14;
	s8 =	simm.s32 $0x10300  }
0x222: {  	[tilespmem:s8], [sflag:$0x1] =	stream.linear.gather [hbm4b:s7+s3], $0x40, $0x38;
	[tilespmem:$0x1D180] =	vst v63  }
0x223: {  	s9 =	sadd.s32 $0x50, s14;
	s10 =	simm.s32 $0x10380  }
0x224: {  	[tilespmem:s10], [sflag:$0x1] =	stream.linear.gather [hbm4b:s9+s3], $0x40, $0x38;
	[tilespmem:$0x1D180] =	vst v63  }
0x225: {  	s16 =	sadd.s32 $0x60, s14;
	s28 =	simm.s32 $0x10400  }
0x226: {  	[tilespmem:s28], [sflag:$0x1] =	stream.linear.gather [hbm4b:s16+s3], $0x40, $0x38;
	[tilespmem:$0x1D180] =	vst v63  }
0x227: {  	s29 =	sadd.s32 $0x70, s14;
	s30 =	simm.s32 $0x10480  }
0x228: {  	[tilespmem:s30], [sflag:$0x1] =	stream.linear.gather [hbm4b:s29+s3], $0x40, $0x38;
	[tilespmem:$0x1D180] =	vst v63  }
0x229: {  	_ =	swait.ge [sflag:s23], $0x200  }
0x22a: {  	[sflag:s23] =	ssyncset.done $0x0  }
0x22b: {  	[sflag:s23] =	ssyncadd.s32 $0xFFFFFE00  }
0x22c: {  	_ =	swait.ge [sflag:s23], $0x200  }
0x22d: {  	[sflag:s23] =	ssyncset.done $0x0  }
0x22e: {  	[sflag:s23] =	ssyncadd.s32 $0xFFFFFE00  }
0x22f: {  	_ =	swait.ge [sflag:s23], $0x200  }
0x230: {  	[sflag:s23] =	ssyncset.done $0x0  }
0x231: {  	[sflag:s23] =	ssyncadd.s32 $0xFFFFFE00  }
0x232: {  	_ =	swait.ge [sflag:s23], $0x200  }
0x233: {  	[sflag:s23] =	ssyncset.done $0x0  }
0x234: {  	[sflag:s23] =	ssyncadd.s32 $0xFFFFFE00  }
0x235: {  	_ =	swait.ge [sflag:s23], $0x200  }
0x236: {  	[sflag:s23] =	ssyncset.done $0x0  }
0x237: {  	[sflag:s23] =	ssyncadd.s32 $0xFFFFFE00  }
0x238: {  	_ =	swait.ge [sflag:s23], $0x200  }
0x239: {  	[sflag:s23] =	ssyncset.done $0x0  }
0x23a: {  	[sflag:s23] =	ssyncadd.s32 $0xFFFFFE00  }
0x23b: {  	_ =	swait.ge [sflag:s23], $0x200  }
0x23c: {  	[sflag:s23] =	ssyncset.done $0x0  }
0x23d: {  	[sflag:s23] =	ssyncadd.s32 $0xFFFFFE00  }
0x23e: {  	_ =	swait.ge [sflag:s23], $0x200  }
0x23f: {  	[sflag:s23] =	ssyncset.done $0x0  }
0x240: {  	[sflag:s23] =	ssyncadd.s32 $0xFFFFFE00  }
0x241: {  	s0 =	sld [smem:$0x3E]  }
0x242: {  	s16 =	sld [smem:$0xBE];
	_ =	sdelay $0x2  }
0x243: {  	s31 =	sadd.s32 s0, s16  }
0x244: {  	p0 =	sge.s32 s0, s31  }
.Ltmp24:
0x245: {  	_ = 	snop;
	(pc) =	sbr.rel @p0 .LBB2_36-.Ltmp24, $1  }
0x246: {  	_ =	sdelay $0x3  }
0x247: {  	s0 =	sshll.u32 s0, $0x2  }
0x248: {  	s0 =	sshra.s32 s0, $0x2  }
0x249: {  	s0 =	sadd.s32 $0x5080, s0  }
0x24a: {  	v12 =	vld [tilespmem:s0+$0x0];
	_ =	sdelay $0x4  }
0x24b: {  	(v2sf) =	vpush v12, $0x0;
	_ =	sdelay $0xe  }
0x24c: {  	s7 =	spop (v2sf)  }
0x24d: {  	s8 =	sshrl.u32 s7, $0xE  }
0x24e: {  	s8 =	sadd.s32 s8, s15  }
0x24f: {  	p0 =	sgt.s32 s8, $0x0  }
0x250: {  	s8 =	simm.s32 @!p0 $0x0  }
0x251: {  	s8 =	smin.u32 s8, $0x1FF  }
0x252: {  	v12 =	vmov s8  }
0x253: {  	v13 =	vshll.u32 v12, $0x3  }
0x254: {  	v12 =	vand.u32 $0x7F, v12;
	v13 =	vand.u32 $0xC00, v13  }
0x255: {  	v13 =	vor.u32 v12, v13  }
0x256: {  	v14 =	vor.u32 v5, v13;
	_ =	sdelay $0x2  }
0x257: {  	v12 =	vmov s1  }
0x258: {  	v15 =	vshll.u32 v12, $0x7  }
0x259: {  	v16 =	vor.u32 v3, v15;
	v14 =	vld.idx.msk [tilespmem:v14+s19+$0x0], $0xffff  }
0x25a: {  	v17 =	vor.u32 v6, v13;
	_ =	sdelay $0x3  }
0x25b: {  	[tilespmem:v16+s24+$0x0] =	vst.idx.msk $0xffff, v14  }
0x25c: {  	v14 =	vor.u32 v7, v15;
	v16 =	vld.idx.msk [tilespmem:v17+s19+$0x0], $0xffff  }
0x25d: {  	v17 =	vor.u32 v8, v13;
	_ =	sdelay $0x3  }
0x25e: {  	[tilespmem:v14+s24+$0x0] =	vst.idx.msk $0xffff, v16  }
0x25f: {  	v14 =	vor.u32 v9, v15;
	v16 =	vld.idx.msk [tilespmem:v17+s19+$0x0], $0xffff  }
0x260: {  	s16 =	sadd.s32 $0xFFFFFFFF, s16;
	v17 =	vor.u32 v10, v13  }
0x261: {  	p0 =	sne.s32 s16, $0x0  }
.Ltmp25:
0x262: {  	_ = 	snop;
	(pc) =	sbr.rel @!p0 .LBB2_39-.Ltmp25, $4  }
0x263: {  	s1 =	sadd.s32 $0x1, s1  }
0x264: {  	p1 =	sne.s32 s1, $0x80;
	[tilespmem:v14+s24+$0x0] =	vst.idx.msk $0xffff, v16  }
0x265: {  	s31 =	sand.u32 $0x3FFF, s7;
	s7 =	simm.s32 @!p1 $0x80;
	v13 =	vor.u32 v11, v15;
	v15 =	vld.idx.msk [tilespmem:v17+s19+$0x0], $0xffff  }
0x266: {  	s8 =	simm.s32 @!p1 $0x1D100;
	s9 =	simm.s32 @!p1 $0x19100;
	s1 =	simm.s32 @!p1 $0x0;
	v14 =	vmov s31  }
.LBB2_38:
0x267: {  	_ =	sdelay $0x1  }
0x268: {  	s16 =	sadd.s32 $0xFFFFFFFF, s16;
	s0 =	sadd.s32 $0x1, s0  }
0x269: {  	p0 =	sne.s32 s16, $0x0;
	[tilespmem:v13+s24+$0x0] =	vst.idx.msk $0xffff, v15  }
0x26a: {  	s10 =	simm.s32 @!p1 $0x3;
	[tilespmem:v12+s25+$0x0] =	vst.idx.msk $0x1, v14  }
0x26b: {  	[hbm4b:s4+s7] =	stream.indirect.scatter @!p1 [tilespmem:s9], [sflag:$0x3], $0x80, s8, s7, $0xb8;
	[tilespmem:$0x1D180] =	vst v63  }
0x26c: {  	_ =	swait.ge @!p1 [sflag:s10], $0x4000  }
0x26d: {  	[sflag:s10] =	ssyncset.done @!p1 $0x0  }
0x26e: {  	v12 =	vimm.s32 @!p1 $0x4000;
	[sflag:s10] =	ssyncadd.s32 @!p1 $0xFFFFC000  }
0x26f: {  	[tilespmem:$0x1D100] =	vst @!p1 v12  }
0x270: {  	[tilespmem:$0x1D170] =	vst @!p1 v12  }
0x271: {  	[tilespmem:$0x1D160] =	vst @!p1 v12  }
0x272: {  	[tilespmem:$0x1D150] =	vst @!p1 v12  }
0x273: {  	[tilespmem:$0x1D140] =	vst @!p1 v12  }
0x274: {  	[tilespmem:$0x1D130] =	vst @!p1 v12  }
0x275: {  	[tilespmem:$0x1D120] =	vst @!p1 v12  }
0x276: {  	[tilespmem:$0x1D110] =	vst @!p1 v12  }
0x277: {  	v12 =	vld [tilespmem:s0+$0x0];
	_ =	sdelay $0x4  }
0x278: {  	(v2sf) =	vpush v12, $0x0;
	_ =	sdelay $0xe  }
0x279: {  	s7 =	spop (v2sf)  }
0x27a: {  	s8 =	sshrl.u32 s7, $0xE  }
0x27b: {  	s8 =	sadd.s32 s8, s15  }
0x27c: {  	p1 =	sgt.s32 s8, $0x0  }
0x27d: {  	s8 =	simm.s32 @!p1 $0x0  }
0x27e: {  	s8 =	smin.u32 s8, $0x1FF  }
0x27f: {  	v13 =	vmov s8  }
0x280: {  	v12 =	vmov s1;
	v14 =	vshll.u32 v13, $0x3  }
0x281: {  	v15 =	vshll.u32 v12, $0x7;
	v13 =	vand.u32 $0x7F, v13;
	v14 =	vand.u32 $0xC00, v14  }
0x282: {  	v13 =	vor.u32 v13, v14;
	v14 =	vor.u32 v3, v15  }
0x283: {  	v16 =	vor.u32 v5, v13;
	v17 =	vor.u32 v6, v13;
	_ =	sdelay $0x4  }
0x284: {  	v16 =	vld.idx.msk [tilespmem:v16+s19+$0x0], $0xffff  }
0x285: {  	v18 =	vor.u32 v7, v15  }
0x286: {  	v19 =	vor.u32 v8, v13;
	_ =	sdelay $0x3  }
0x287: {  	[tilespmem:v14+s24+$0x0] =	vst.idx.msk $0xffff, v16  }
0x288: {  	v14 =	vld.idx.msk [tilespmem:v17+s19+$0x0], $0xffff  }
0x289: {  	v16 =	vor.u32 v9, v15  }
0x28a: {  	v17 =	vor.u32 v10, v13;
	_ =	sdelay $0x3  }
0x28b: {  	[tilespmem:v18+s24+$0x0] =	vst.idx.msk $0xffff, v14  }
0x28c: {  	v14 =	vld.idx.msk [tilespmem:v19+s19+$0x0], $0xffff  }
0x28d: {  	v13 =	vor.u32 v11, v15;
	_ =	sdelay $0x2  }
.Ltmp26:
0x28e: {  	(pc) =	sbr.rel @p0 .LBB2_38-.Ltmp26, $4  }
0x28f: {  	s1 =	sadd.s32 $0x1, s1;
	s7 =	sand.u32 $0x3FFF, s7  }
0x290: {  	p1 =	sne.s32 s1, $0x80;
	[tilespmem:v16+s24+$0x0] =	vst.idx.msk $0xffff, v14;
	v14 =	vmov s7  }
0x291: {  	s9 =	simm.s32 @!p1 $0x19100;
	s8 =	simm.s32 @!p1 $0x1D100;
	s7 =	simm.s32 @!p1 $0x80;
	v15 =	vld.idx.msk [tilespmem:v17+s19+$0x0], $0xffff  }
0x292: {  	s1 =	simm.s32 @!p1 $0x0  }
.LBB2_39:
0x293: {  	_ =	sdelay $0x3  }
0x294: {  	[tilespmem:v13+s24+$0x0] =	vst.idx.msk $0xffff, v15  }
0x295: {  	s0 =	simm.s32 @!p1 $0x3;
	[tilespmem:v12+s25+$0x0] =	vst.idx.msk $0x1, v14  }
0x296: {  	[hbm4b:s4+s7] =	stream.indirect.scatter @!p1 [tilespmem:s9], [sflag:$0x3], $0x80, s8, s7, $0xb8;
	[tilespmem:$0x1D180] =	vst v63  }
0x297: {  	_ =	swait.ge @!p1 [sflag:s0], $0x4000  }
0x298: {  	[sflag:s0] =	ssyncset.done @!p1 $0x0  }
0x299: {  	v12 =	vimm.s32 @!p1 $0x4000;
	[sflag:s0] =	ssyncadd.s32 @!p1 $0xFFFFC000  }
0x29a: {  	[tilespmem:$0x1D100] =	vst @!p1 v12  }
0x29b: {  	[tilespmem:$0x1D170] =	vst @!p1 v12  }
0x29c: {  	[tilespmem:$0x1D160] =	vst @!p1 v12  }
.Ltmp27:
0x29d: {  	[tilespmem:$0x1D150] =	vst @!p1 v12;
	(pc) =	sbr.rel .LBB2_40-.Ltmp27, $4  }
0x29e: {  	[tilespmem:$0x1D140] =	vst @!p1 v12  }
0x29f: {  	[tilespmem:$0x1D130] =	vst @!p1 v12  }
0x2a0: {  	[tilespmem:$0x1D120] =	vst @!p1 v12  }
0x2a1: {  	s8 =	rddreg [dreg:$0x9];
	[tilespmem:$0x1D110] =	vst @!p1 v12  }
.LBB2_9:
.Ltmp28:
0x2a2: {  	(pc) =	sbr.rel .LBB2_18-.Ltmp28, $2  }
0x2a3: {  	_ =	sdelay $0x2  }
0x2a4: {  	_ = 	snop  }
.LBB2_11:
.Ltmp29:
0x2a5: {  	(pc) =	sbr.rel .LBB2_18-.Ltmp29, $2  }
0x2a6: {  	_ =	sdelay $0x2  }
0x2a7: {  	_ = 	snop  }
.LBB2_13:
.Ltmp30:
0x2a8: {  	(pc) =	sbr.rel .LBB2_18-.Ltmp30, $2  }
0x2a9: {  	_ =	sdelay $0x3  }
0x2aa: {  	_ = 	snop  }
.LBB2_15:
.Ltmp31:
0x2ab: {  	(pc) =	sbr.rel .LBB2_18-.Ltmp31, $1  }
0x2ac: {  	_ =	sdelay $0x3  }
.LBB2_41:
0x2ad: {  	_ =	sfence.sel $0x180000  }
0x2ae: {  	[bflag:$0x0] =	sbarrier.arrive $0xFFFF  }
0x2af: {  	_ =	strace $0x90000047  }
0x2b0: {  	s0 =	stileid.u32;
	[bflag:$0x2] =	sbarrier.arrive $0xFFFF  }
0x2b1: {  	p0 =	sne.s32 s0, $0x0;
	s0 =	rddreg [dreg:$0x3]  }
0x2b2: {  	s0 =	sadd.s32 @!p0 $0x100000, s0  }
0x2b3: {  	[sflag:s0] =	ssyncadd.tile.s32 @!p0 $0x1;
	_ =	shalt  }
.Lfunc_end2:
_tile_overlayer_lowered:
.L_overlay_start_2:
0x2b4: {  	(tag) =	ssettag $0x2  }
0x2b5: {  	s0 =	rddreg [dreg:$0x0];
	s2 =	stileid.u32  }
0x2b6: {  	s1 =	rddreg [dreg:$0x1];
	p0 =	sne.s32 s2, $0x0  }
0x2b7: {  	s3 =	rddreg [dreg:$0x2];
	[bflag:$0x3] =	sbarrier.arrive $0xFFFF;
	s2 =	simm.s32 @!p0 $0x1C04  }
0x2b8: {  	[timem:s3], [sflag:s2] =	dma.local @!p0 [hbm:s0], s1  }
0x2b9: {  	s0 =	simm.s32 @!p0 $0x4  }
0x2ba: {  	_ =	swait.ge @!p0 [sflag:s0], s1  }
0x2bb: {  	s1 =	ssub.s32 @!p0 $0x0, s1;
	[sflag:s0] =	ssyncset.done @!p0 $0x0  }
0x2bc: {  	[sflag:s0] =	ssyncadd.s32 @!p0 s1  }
0x2bd: {  	[bflag:$0x3] =	sbarrier.arrive $0xFFFF  }
0x2be: {  	_ =	shalt  }

</sc_bundles>
